<compile_context>
chip_gen: v7x
topology: tpu7x:2x2x1
jax: 0.10.2.dev20260603
libtpu: 0.0.44.dev20260713+nightly
codegen_flags: <defaults>
</compile_context>

<pallas_src>
import functools

import jax
import jax.numpy as jnp
from jax import lax
from jax.experimental import pallas as pl
from jax.experimental.pallas import tpu as pltpu
from jax.experimental.pallas import tpu_sc as plsc

B, H, W, C = 8, 224, 224, 96
HW = H * W
N = B * HW * C
R = N // 128
NC, NS, L = 2, 16, 16
NW = NC * NS
PER_W = (B * HW) // NW
CRW = 128
ITERS = PER_W // CRW
HALF = ITERS // 2
CG = C // L
OROWS = CRW * C // 128

_mesh = plsc.VectorSubcoreMesh(core_axis_name="c", subcore_axis_name="s")


@functools.partial(
    pl.kernel,
    mesh=_mesh,
    out_type=(
        jax.ShapeDtypeStruct((R, 128), jnp.float32),
        jax.ShapeDtypeStruct((R, 128), jnp.float32),
    ),
    scratch_types=[
        pltpu.VMEM((2, CRW, C), jnp.float32),
        pltpu.VMEM((2, CRW, C), jnp.float32),
        pltpu.VMEM((2, OROWS, 128), jnp.float32),
        pltpu.VMEM((2, OROWS, 128), jnp.float32),
        pltpu.SemaphoreType.DMA,
        pltpu.SemaphoreType.DMA,
        pltpu.SemaphoreType.DMA,
        pltpu.SemaphoreType.DMA,
    ],
)
def _exchange(x1_hbm, x2_hbm, o1_hbm, o2_hbm, a_v, b_v, c_v, d_v,
              ls0, ls1, ss0, ss1):
    wid = lax.axis_index("s") * NC + lax.axis_index("c")
    bidx = wid // 4
    rec0 = (wid % 4) * PER_W
    even = (lax.iota(jnp.int32, L) % 2) == 0
    lsems = (ls0, ls1)
    ssems = (ss0, ss1)

    def start_load(slot, i):
        off = pl.multiple_of(rec0 + i * CRW, 8)
        pltpu.async_copy(x1_hbm.at[bidx, pl.ds(off, CRW)], a_v.at[slot],
                         lsems[slot])
        pltpu.async_copy(x2_hbm.at[bidx, pl.ds(off, CRW)], b_v.at[slot],
                         lsems[slot])

    def wait_load(slot):
        pltpu.make_async_copy(x1_hbm.at[0, pl.ds(0, CRW)], a_v.at[slot],
                              lsems[slot]).wait()
        pltpu.make_async_copy(x2_hbm.at[0, pl.ds(0, CRW)], b_v.at[slot],
                              lsems[slot]).wait()

    def start_store(slot, i):
        orow = pl.multiple_of((bidx * HW + rec0 + i * CRW) * C // 128, 8)
        pltpu.async_copy(c_v.at[slot], o1_hbm.at[pl.ds(orow, OROWS)],
                         ssems[slot])
        pltpu.async_copy(d_v.at[slot], o2_hbm.at[pl.ds(orow, OROWS)],
                         ssems[slot])

    def wait_store(slot):
        pltpu.make_async_copy(c_v.at[slot], o1_hbm.at[pl.ds(0, OROWS)],
                              ssems[slot]).wait()
        pltpu.make_async_copy(d_v.at[slot], o2_hbm.at[pl.ds(0, OROWS)],
                              ssems[slot]).wait()

    start_load(0, 0)
    start_load(1, 1)

    def body(k, carry):
        for slot in (0, 1):
            i = 2 * k + slot
            wait_load(slot)
            pl.when(k > 0)(lambda: wait_store(slot))

            ain = a_v.at[slot]
            bin_ = b_v.at[slot]
            cout = c_v.at[slot]
            dout = d_v.at[slot]

            @plsc.parallel_loop(0, CRW, 1, unroll=2)
            def _(r):
                for g in range(CG):
                    v1 = ain[r, pl.ds(g * L, L)]
                    v2 = bin_[r, pl.ds(g * L, L)]
                    p = r * C + g * L
                    row = p // 128
                    lane = p % 128
                    cout[row, pl.ds(lane, L)] = jnp.where(even, v2, v1)
                    dout[row, pl.ds(lane, L)] = jnp.where(even, v1, v2)

            start_store(slot, i)
            pl.when(k < HALF - 1)(lambda: start_load(slot, i + 2))
        return carry

    lax.fori_loop(0, HALF, body, 0)
    wait_store(0)
    wait_store(1)


def kernel(x1, x2):
    o1, o2 = _exchange(x1.reshape(B, HW, C), x2.reshape(B, HW, C))
    return o1.reshape(B, C, H, W), o2.reshape(B, C, H, W)

# --- scband reference (transcript-rebuilt; emitter-appended) ---
"""Pipeline reference for scband-channel-exchange-16011638079734 (READ-ONLY COPY).

The authoritative reference and input builder live on the scoring server;
editing this copy changes nothing except your own understanding.
"""

import jax, jax.numpy as jnp
import numpy as np

P = 2

def setup_inputs(seed: int = 0) -> dict:
    key = jax.random.key(seed)
    k1, k2 = jax.random.split(key)
    x1 = jax.random.normal(k1, (8, 224, 224, 96), dtype=jnp.float32)
    x2 = jax.random.normal(k2, (8, 224, 224, 96), dtype=jnp.float32)
    return {"x1": x1, "x2": x2}


def reference(x1, x2):
    B, H, W, C = x1.shape
    # view(B, -1, C) then permute(0, 2, 1) -> [B, C, H*W]
    x1p = jnp.transpose(x1.reshape(B, -1, C), (0, 2, 1))
    x2p = jnp.transpose(x2.reshape(B, -1, C), (0, 2, 1))
    exchange_mask = (jnp.arange(C) % P) == 0            # [C]
    exchange_mask = jnp.broadcast_to(exchange_mask[None, :], (B, C))  # [B, C]
    m = exchange_mask[:, :, None]                        # [B, C, 1]
    # out_x1 takes x2 on exchanged channels, x1 elsewhere (and vice versa)
    out_x1 = jnp.where(m, x2p, x1p)
    out_x2 = jnp.where(m, x1p, x2p)
    # permute(0, 2, 1) -> [B, H*W, C], then view(B, C, H, W)
    out_x1 = jnp.transpose(out_x1, (0, 2, 1)).reshape(B, C, H, W)
    out_x2 = jnp.transpose(out_x2, (0, 2, 1)).reshape(B, C, H, W)
    return (out_x1, out_x2)

if __name__ == "__main__":
    import jax
    _d = setup_inputs()
    print(jax.jit(kernel)(*tuple(_d.values())))

</pallas_src>

<mosaic_0001>
#map = affine_map<(d0, d1) -> (0, 0, 0)>
#map1 = affine_map<(d0, d1) -> (0, 0)>
module attributes {stable_mosaic.version = 14 : i64} {
  func.func @_exchange(%arg0: i32, %arg1: i32, %arg2: memref<8x50176x96xf32, #tpu.memory_space<hbm>>, %arg3: memref<8x50176x96xf32, #tpu.memory_space<hbm>>, %arg4: memref<301056x128xf32, #tpu.memory_space<hbm>>, %arg5: memref<301056x128xf32, #tpu.memory_space<hbm>>, %arg6: memref<2x128x96xf32, #tpu.memory_space<vmem>>, %arg7: memref<2x128x96xf32, #tpu.memory_space<vmem>>, %arg8: memref<2x96x128xf32, #tpu.memory_space<vmem>>, %arg9: memref<2x96x128xf32, #tpu.memory_space<vmem>>, %arg10: memref<!tpu.dma_semaphore, #tpu.memory_space<semaphore_mem>>, %arg11: memref<!tpu.dma_semaphore, #tpu.memory_space<semaphore_mem>>, %arg12: memref<!tpu.dma_semaphore, #tpu.memory_space<semaphore_mem>>, %arg13: memref<!tpu.dma_semaphore, #tpu.memory_space<semaphore_mem>>) attributes {dimension_semantics = [#tpu.dimension_semantics<core_parallel>, #tpu.dimension_semantics<subcore_parallel>], iteration_bounds = array<i64: 2, 16>, scalar_prefetch = 0 : i64, scratch_operands = 8 : i64, tpu.core_type = #tpu.core_type<sc_vector_subcore>, window_params = [{transform_indices = #map}, {transform_indices = #map}, {transform_indices = #map1}, {transform_indices = #map1}]} {
    %mul3A = arith.constant 2 : i32
    %mul3A_0 = arith.muli %arg1, %mul3A : i32
    %add3A = arith.addi %mul3A_0, %arg0 : i32
    %jit3A = arith.constant 4 : i32
    %div3A = arith.divsi %add3A, %jit3A : i32
    %sign3A = arith.constant 0 : i32
    %sign3A_1 = arith.cmpi sgt, %add3A, %sign3A : i32
    %sign3A_2 = arith.extui %sign3A_1 : i1 to i32
    %sign3A_3 = arith.constant 0 : i32
    %sign3A_4 = arith.cmpi slt, %add3A, %sign3A_3 : i32
    %sign3A_5 = arith.extui %sign3A_4 : i1 to i32
    %sign3A_6 = arith.subi %sign3A_2, %sign3A_5 : i32
    %sign3A_7 = arith.constant 0 : i32
    %sign3A_8 = arith.cmpi sgt, %jit3A, %sign3A_7 : i32
    %sign3A_9 = arith.extui %sign3A_8 : i1 to i32
    %sign3A_10 = arith.constant 0 : i32
    %sign3A_11 = arith.cmpi slt, %jit3A, %sign3A_10 : i32
    %sign3A_12 = arith.extui %sign3A_11 : i1 to i32
    %sign3A_13 = arith.subi %sign3A_9, %sign3A_12 : i32
    %ne3A = arith.cmpi ne, %sign3A_6, %sign3A_13 : i32
    %rem3A = arith.remsi %add3A, %jit3A : i32
    %ne3A_14 = arith.constant 0 : i32
    %ne3A_15 = arith.cmpi ne, %rem3A, %ne3A_14 : i32
    %and3A = arith.andi %ne3A, %ne3A_15 : i1
    %sub3A = arith.constant 1 : i32
    %sub3A_16 = arith.subi %div3A, %sub3A : i32
    %select_n3A = arith.select %and3A, %sub3A_16, %div3A : i32
    %jit3A_17 = arith.constant 4 : i32
    %eq3A = arith.constant 0 : i32
    %eq3A_18 = arith.cmpi eq, %jit3A_17, %eq3A : i32
    %jit3A_19 = arith.constant 1 : i32
    %select_n3A_20 = arith.select %eq3A_18, %jit3A_19, %jit3A_17 : i32
    %rem3A_21 = arith.remsi %add3A, %select_n3A_20 : i32
    %ne3A_22 = arith.constant 0 : i32
    %ne3A_23 = arith.cmpi ne, %rem3A_21, %ne3A_22 : i32
    %lt3A = arith.constant 0 : i32
    %lt3A_24 = arith.cmpi slt, %rem3A_21, %lt3A : i32
    %lt3A_25 = arith.constant 0 : i32
    %lt3A_26 = arith.cmpi slt, %select_n3A_20, %lt3A_25 : i32
    %ne3A_27 = arith.xori %lt3A_24, %lt3A_26 : i1
    %and3A_28 = arith.andi %ne3A_27, %ne3A_23 : i1
    %add3A_29 = arith.addi %rem3A_21, %select_n3A_20 : i32
    %select_n3A_30 = arith.select %and3A_28, %add3A_29, %rem3A_21 : i32
    %mul3A_31 = arith.constant 12544 : i32
    %mul3A_32 = arith.muli %select_n3A_30, %mul3A_31 : i32
    %iota3A = tpu.iota {dimensions = array<i32: 0>} : vector<16xi32>
    %jit3A_33 = arith.constant 2 : i32
    %eq3A_34 = arith.constant 0 : i32
    %eq3A_35 = arith.cmpi eq, %jit3A_33, %eq3A_34 : i32
    %jit3A_36 = arith.constant 1 : i32
    %select_n3A_37 = arith.select %eq3A_35, %jit3A_36, %jit3A_33 : i32
    %rem3A_38 = vector.broadcast %select_n3A_37 : i32 to vector<16xi32>
    %rem3A_39 = arith.remsi %iota3A, %rem3A_38 : vector<16xi32>
    %ne3A_40 = arith.constant 0 : i32
    %ne3A_41 = vector.broadcast %ne3A_40 : i32 to vector<16xi32>
    %ne3A_42 = arith.cmpi ne, %rem3A_39, %ne3A_41 : vector<16xi32>
    %lt3A_43 = arith.constant 0 : i32
    %lt3A_44 = vector.broadcast %lt3A_43 : i32 to vector<16xi32>
    %lt3A_45 = arith.cmpi slt, %rem3A_39, %lt3A_44 : vector<16xi32>
    %lt3A_46 = arith.constant 0 : i32
    %lt3A_47 = arith.cmpi slt, %select_n3A_37, %lt3A_46 : i32
    %ne3A_48 = vector.broadcast %lt3A_47 : i1 to vector<16xi1>
    %ne3A_49 = vector.broadcast %ne3A_48 : vector<16xi1> to vector<16xi1>
    %ne3A_50 = arith.xori %lt3A_45, %ne3A_49 : vector<16xi1>
    %and3A_51 = arith.andi %ne3A_50, %ne3A_42 : vector<16xi1>
    %add3A_52 = vector.broadcast %select_n3A_37 : i32 to vector<16xi32>
    %add3A_53 = arith.addi %rem3A_39, %add3A_52 : vector<16xi32>
    %select_n3A_54 = arith.select %and3A_51, %add3A_53, %rem3A_39 : vector<16xi1>, vector<16xi32>
    %eq3A_55 = arith.constant 0 : i32
    %eq3A_56 = vector.broadcast %eq3A_55 : i32 to vector<16xi32>
    %eq3A_57 = arith.cmpi eq, %select_n3A_54, %eq3A_56 : vector<16xi32>
    %add3A_58 = arith.constant 0 : i32
    %add3A_59 = arith.addi %mul3A_32, %add3A_58 : i32
    %multiple_of3A = tpu.assume_multiple %add3A_59, 8 : i32
    %dma_start3A = arith.constant 0 : i32
    %dma_start3A_60 = arith.constant 0 : i32
    %dma_start3A_61 = arith.constant 0 : i32
    %dma_start3A_62 = tpu.memref_slice %arg6[%dma_start3A, %dma_start3A_60, %dma_start3A_61] : memref<2x128x96xf32, #tpu.memory_space<vmem>> -> memref<1x128x96xf32, #tpu.memory_space<vmem>>
    %dma_start3A_63 = tpu.memref_squeeze %dma_start3A_62 : memref<1x128x96xf32, #tpu.memory_space<vmem>> -> memref<128x96xf32, #tpu.memory_space<vmem>>
    %dma_start3A_64 = arith.constant 0 : i32
    %dma_start3A_65 = tpu.memref_slice %arg2[%select_n3A, %multiple_of3A, %dma_start3A_64] : memref<8x50176x96xf32, #tpu.memory_space<hbm>> -> memref<1x128x96xf32, #tpu.memory_space<hbm>>
    %dma_start3A_66 = tpu.memref_squeeze %dma_start3A_65 : memref<1x128x96xf32, #tpu.memory_space<hbm>> -> memref<128x96xf32, #tpu.memory_space<hbm>>
    %dma_start3A_67 = arith.constant 0 : i32
    %dma_start3A_68 = arith.constant 0 : i32
    %dma_start3A_69 = tpu.memref_slice %arg6[%dma_start3A, %dma_start3A_67, %dma_start3A_68] : memref<2x128x96xf32, #tpu.memory_space<vmem>> -> memref<1x128x96xf32, #tpu.memory_space<vmem>>
    %dma_start3A_70 = tpu.memref_squeeze %dma_start3A_69 : memref<1x128x96xf32, #tpu.memory_space<vmem>> -> memref<128x96xf32, #tpu.memory_space<vmem>>
    %dma_start3A_71 = arith.constant 0 : i32
    %dma_start3A_72 = tpu.memref_slice %arg2[%select_n3A, %multiple_of3A, %dma_start3A_71] : memref<8x50176x96xf32, #tpu.memory_space<hbm>> -> memref<1x128x96xf32, #tpu.memory_space<hbm>>
    %dma_start3A_73 = tpu.memref_squeeze %dma_start3A_72 : memref<1x128x96xf32, #tpu.memory_space<hbm>> -> memref<128x96xf32, #tpu.memory_space<hbm>>
    tpu.enqueue_dma source(%dma_start3A_73 : memref<128x96xf32, #tpu.memory_space<hbm>>) target(%dma_start3A_70 : memref<128x96xf32, #tpu.memory_space<vmem>>) target_semaphore(%arg10 : memref<!tpu.dma_semaphore, #tpu.memory_space<semaphore_mem>>)
    %dma_start3A_74 = arith.constant 0 : i32
    %dma_start3A_75 = arith.constant 0 : i32
    %dma_start3A_76 = arith.constant 0 : i32
    %dma_start3A_77 = tpu.memref_slice %arg7[%dma_start3A_74, %dma_start3A_75, %dma_start3A_76] : memref<2x128x96xf32, #tpu.memory_space<vmem>> -> memref<1x128x96xf32, #tpu.memory_space<vmem>>
    %dma_start3A_78 = tpu.memref_squeeze %dma_start3A_77 : memref<1x128x96xf32, #tpu.memory_space<vmem>> -> memref<128x96xf32, #tpu.memory_space<vmem>>
    %dma_start3A_79 = arith.constant 0 : i32
    %dma_start3A_80 = tpu.memref_slice %arg3[%select_n3A, %multiple_of3A, %dma_start3A_79] : memref<8x50176x96xf32, #tpu.memory_space<hbm>> -> memref<1x128x96xf32, #tpu.memory_space<hbm>>
    %dma_start3A_81 = tpu.memref_squeeze %dma_start3A_80 : memref<1x128x96xf32, #tpu.memory_space<hbm>> -> memref<128x96xf32, #tpu.memory_space<hbm>>
    %dma_start3A_82 = arith.constant 0 : i32
    %dma_start3A_83 = arith.constant 0 : i32
    %dma_start3A_84 = tpu.memref_slice %arg7[%dma_start3A_74, %dma_start3A_82, %dma_start3A_83] : memref<2x128x96xf32, #tpu.memory_space<vmem>> -> memref<1x128x96xf32, #tpu.memory_space<vmem>>
    %dma_start3A_85 = tpu.memref_squeeze %dma_start3A_84 : memref<1x128x96xf32, #tpu.memory_space<vmem>> -> memref<128x96xf32, #tpu.memory_space<vmem>>
    %dma_start3A_86 = arith.constant 0 : i32
    %dma_start3A_87 = tpu.memref_slice %arg3[%select_n3A, %multiple_of3A, %dma_start3A_86] : memref<8x50176x96xf32, #tpu.memory_space<hbm>> -> memref<1x128x96xf32, #tpu.memory_space<hbm>>
    %dma_start3A_88 = tpu.memref_squeeze %dma_start3A_87 : memref<1x128x96xf32, #tpu.memory_space<hbm>> -> memref<128x96xf32, #tpu.memory_space<hbm>>
    tpu.enqueue_dma source(%dma_start3A_88 : memref<128x96xf32, #tpu.memory_space<hbm>>) target(%dma_start3A_85 : memref<128x96xf32, #tpu.memory_space<vmem>>) target_semaphore(%arg10 : memref<!tpu.dma_semaphore, #tpu.memory_space<semaphore_mem>>)
    %add3A_89 = arith.constant 128 : i32
    %add3A_90 = arith.addi %mul3A_32, %add3A_89 : i32
    %multiple_of3A_91 = tpu.assume_multiple %add3A_90, 8 : i32
    %dma_start3A_92 = arith.constant 1 : i32
    %dma_start3A_93 = arith.constant 0 : i32
    %dma_start3A_94 = arith.constant 0 : i32
    %dma_start3A_95 = tpu.memref_slice %arg6[%dma_start3A_92, %dma_start3A_93, %dma_start3A_94] : memref<2x128x96xf32, #tpu.memory_space<vmem>> -> memref<1x128x96xf32, #tpu.memory_space<vmem>>
    %dma_start3A_96 = tpu.memref_squeeze %dma_start3A_95 : memref<1x128x96xf32, #tpu.memory_space<vmem>> -> memref<128x96xf32, #tpu.memory_space<vmem>>
    %dma_start3A_97 = arith.constant 0 : i32
    %dma_start3A_98 = tpu.memref_slice %arg2[%select_n3A, %multiple_of3A_91, %dma_start3A_97] : memref<8x50176x96xf32, #tpu.memory_space<hbm>> -> memref<1x128x96xf32, #tpu.memory_space<hbm>>
    %dma_start3A_99 = tpu.memref_squeeze %dma_start3A_98 : memref<1x128x96xf32, #tpu.memory_space<hbm>> -> memref<128x96xf32, #tpu.memory_space<hbm>>
    %dma_start3A_100 = arith.constant 0 : i32
    %dma_start3A_101 = arith.constant 0 : i32
    %dma_start3A_102 = tpu.memref_slice %arg6[%dma_start3A_92, %dma_start3A_100, %dma_start3A_101] : memref<2x128x96xf32, #tpu.memory_space<vmem>> -> memref<1x128x96xf32, #tpu.memory_space<vmem>>
    %dma_start3A_103 = tpu.memref_squeeze %dma_start3A_102 : memref<1x128x96xf32, #tpu.memory_space<vmem>> -> memref<128x96xf32, #tpu.memory_space<vmem>>
    %dma_start3A_104 = arith.constant 0 : i32
    %dma_start3A_105 = tpu.memref_slice %arg2[%select_n3A, %multiple_of3A_91, %dma_start3A_104] : memref<8x50176x96xf32, #tpu.memory_space<hbm>> -> memref<1x128x96xf32, #tpu.memory_space<hbm>>
    %dma_start3A_106 = tpu.memref_squeeze %dma_start3A_105 : memref<1x128x96xf32, #tpu.memory_space<hbm>> -> memref<128x96xf32, #tpu.memory_space<hbm>>
    tpu.enqueue_dma source(%dma_start3A_106 : memref<128x96xf32, #tpu.memory_space<hbm>>) target(%dma_start3A_103 : memref<128x96xf32, #tpu.memory_space<vmem>>) target_semaphore(%arg11 : memref<!tpu.dma_semaphore, #tpu.memory_space<semaphore_mem>>)
    %dma_start3A_107 = arith.constant 1 : i32
    %dma_start3A_108 = arith.constant 0 : i32
    %dma_start3A_109 = arith.constant 0 : i32
    %dma_start3A_110 = tpu.memref_slice %arg7[%dma_start3A_107, %dma_start3A_108, %dma_start3A_109] : memref<2x128x96xf32, #tpu.memory_space<vmem>> -> memref<1x128x96xf32, #tpu.memory_space<vmem>>
    %dma_start3A_111 = tpu.memref_squeeze %dma_start3A_110 : memref<1x128x96xf32, #tpu.memory_space<vmem>> -> memref<128x96xf32, #tpu.memory_space<vmem>>
    %dma_start3A_112 = arith.constant 0 : i32
    %dma_start3A_113 = tpu.memref_slice %arg3[%select_n3A, %multiple_of3A_91, %dma_start3A_112] : memref<8x50176x96xf32, #tpu.memory_space<hbm>> -> memref<1x128x96xf32, #tpu.memory_space<hbm>>
    %dma_start3A_114 = tpu.memref_squeeze %dma_start3A_113 : memref<1x128x96xf32, #tpu.memory_space<hbm>> -> memref<128x96xf32, #tpu.memory_space<hbm>>
    %dma_start3A_115 = arith.constant 0 : i32
    %dma_start3A_116 = arith.constant 0 : i32
    %dma_start3A_117 = tpu.memref_slice %arg7[%dma_start3A_107, %dma_start3A_115, %dma_start3A_116] : memref<2x128x96xf32, #tpu.memory_space<vmem>> -> memref<1x128x96xf32, #tpu.memory_space<vmem>>
    %dma_start3A_118 = tpu.memref_squeeze %dma_start3A_117 : memref<1x128x96xf32, #tpu.memory_space<vmem>> -> memref<128x96xf32, #tpu.memory_space<vmem>>
    %dma_start3A_119 = arith.constant 0 : i32
    %dma_start3A_120 = tpu.memref_slice %arg3[%select_n3A, %multiple_of3A_91, %dma_start3A_119] : memref<8x50176x96xf32, #tpu.memory_space<hbm>> -> memref<1x128x96xf32, #tpu.memory_space<hbm>>
    %dma_start3A_121 = tpu.memref_squeeze %dma_start3A_120 : memref<1x128x96xf32, #tpu.memory_space<hbm>> -> memref<128x96xf32, #tpu.memory_space<hbm>>
    tpu.enqueue_dma source(%dma_start3A_121 : memref<128x96xf32, #tpu.memory_space<hbm>>) target(%dma_start3A_118 : memref<128x96xf32, #tpu.memory_space<vmem>>) target_semaphore(%arg11 : memref<!tpu.dma_semaphore, #tpu.memory_space<semaphore_mem>>)
    %scan3A = arith.constant 0 : i32
    %scan3A_122 = arith.constant 0 : i32
    %scan3A_123 = arith.constant 49 : i32
    %scan3A_124 = arith.addi %scan3A_122, %scan3A_123 : i32
    %scan3A_125 = arith.constant 1 : i32
    scf.for %scan3A_186 = %scan3A_122 to %scan3A_124 step %scan3A_125  : i32 {
      %mul3A_187 = arith.constant 2 : i32
      %mul3A_188 = arith.muli %mul3A_187, %scan3A_186 : i32
      %add3A_189 = arith.constant 0 : i32
      %add3A_190 = arith.addi %mul3A_188, %add3A_189 : i32
      %dma_wait3A_191 = arith.constant 0 : i32
      %dma_wait3A_192 = arith.constant 0 : i32
      %dma_wait3A_193 = arith.constant 0 : i32
      %dma_wait3A_194 = arith.constant 0 : i32
      %dma_wait3A_195 = tpu.memref_slice %arg6[%dma_wait3A_192, %dma_wait3A_193, %dma_wait3A_194] : memref<2x128x96xf32, #tpu.memory_space<vmem>> -> memref<1x128x96xf32, #tpu.memory_space<vmem>>
      %dma_wait3A_196 = tpu.memref_squeeze %dma_wait3A_195 : memref<1x128x96xf32, #tpu.memory_space<vmem>> -> memref<128x96xf32, #tpu.memory_space<vmem>>
      %dma_wait3A_197 = arith.constant 0 : i32
      %dma_wait3A_198 = arith.constant 0 : i32
      %dma_wait3A_199 = tpu.memref_slice %arg2[%dma_wait3A_191, %dma_wait3A_197, %dma_wait3A_198] : memref<8x50176x96xf32, #tpu.memory_space<hbm>> -> memref<1x128x96xf32, #tpu.memory_space<hbm>>
      %dma_wait3A_200 = tpu.memref_squeeze %dma_wait3A_199 : memref<1x128x96xf32, #tpu.memory_space<hbm>> -> memref<128x96xf32, #tpu.memory_space<hbm>>
      %dma_wait3A_201 = arith.constant 0 : i32
      %dma_wait3A_202 = arith.constant 0 : i32
      %dma_wait3A_203 = tpu.memref_slice %arg6[%dma_wait3A_192, %dma_wait3A_201, %dma_wait3A_202] : memref<2x128x96xf32, #tpu.memory_space<vmem>> -> memref<1x128x96xf32, #tpu.memory_space<vmem>>
      %dma_wait3A_204 = tpu.memref_squeeze %dma_wait3A_203 : memref<1x128x96xf32, #tpu.memory_space<vmem>> -> memref<128x96xf32, #tpu.memory_space<vmem>>
      %dma_wait3A_205 = arith.constant 0 : i32
      %dma_wait3A_206 = arith.constant 0 : i32
      %dma_wait3A_207 = tpu.memref_slice %arg2[%dma_wait3A_191, %dma_wait3A_205, %dma_wait3A_206] : memref<8x50176x96xf32, #tpu.memory_space<hbm>> -> memref<1x128x96xf32, #tpu.memory_space<hbm>>
      %dma_wait3A_208 = tpu.memref_squeeze %dma_wait3A_207 : memref<1x128x96xf32, #tpu.memory_space<hbm>> -> memref<128x96xf32, #tpu.memory_space<hbm>>
      tpu.wait_dma2 semaphore(%arg10 : memref<!tpu.dma_semaphore, #tpu.memory_space<semaphore_mem>>) src(%dma_wait3A_208 : memref<128x96xf32, #tpu.memory_space<hbm>>) dst(%dma_wait3A_204 : memref<128x96xf32, #tpu.memory_space<vmem>>)
      %dma_wait3A_209 = arith.constant 0 : i32
      %dma_wait3A_210 = arith.constant 0 : i32
      %dma_wait3A_211 = arith.constant 0 : i32
      %dma_wait3A_212 = arith.constant 0 : i32
      %dma_wait3A_213 = tpu.memref_slice %arg7[%dma_wait3A_210, %dma_wait3A_211, %dma_wait3A_212] : memref<2x128x96xf32, #tpu.memory_space<vmem>> -> memref<1x128x96xf32, #tpu.memory_space<vmem>>
      %dma_wait3A_214 = tpu.memref_squeeze %dma_wait3A_213 : memref<1x128x96xf32, #tpu.memory_space<vmem>> -> memref<128x96xf32, #tpu.memory_space<vmem>>
      %dma_wait3A_215 = arith.constant 0 : i32
      %dma_wait3A_216 = arith.constant 0 : i32
      %dma_wait3A_217 = tpu.memref_slice %arg3[%dma_wait3A_209, %dma_wait3A_215, %dma_wait3A_216] : memref<8x50176x96xf32, #tpu.memory_space<hbm>> -> memref<1x128x96xf32, #tpu.memory_space<hbm>>
      %dma_wait3A_218 = tpu.memref_squeeze %dma_wait3A_217 : memref<1x128x96xf32, #tpu.memory_space<hbm>> -> memref<128x96xf32, #tpu.memory_space<hbm>>
      %dma_wait3A_219 = arith.constant 0 : i32
      %dma_wait3A_220 = arith.constant 0 : i32
      %dma_wait3A_221 = tpu.memref_slice %arg7[%dma_wait3A_210, %dma_wait3A_219, %dma_wait3A_220] : memref<2x128x96xf32, #tpu.memory_space<vmem>> -> memref<1x128x96xf32, #tpu.memory_space<vmem>>
      %dma_wait3A_222 = tpu.memref_squeeze %dma_wait3A_221 : memref<1x128x96xf32, #tpu.memory_space<vmem>> -> memref<128x96xf32, #tpu.memory_space<vmem>>
      %dma_wait3A_223 = arith.constant 0 : i32
      %dma_wait3A_224 = arith.constant 0 : i32
      %dma_wait3A_225 = tpu.memref_slice %arg3[%dma_wait3A_209, %dma_wait3A_223, %dma_wait3A_224] : memref<8x50176x96xf32, #tpu.memory_space<hbm>> -> memref<1x128x96xf32, #tpu.memory_space<hbm>>
      %dma_wait3A_226 = tpu.memref_squeeze %dma_wait3A_225 : memref<1x128x96xf32, #tpu.memory_space<hbm>> -> memref<128x96xf32, #tpu.memory_space<hbm>>
      tpu.wait_dma2 semaphore(%arg10 : memref<!tpu.dma_semaphore, #tpu.memory_space<semaphore_mem>>) src(%dma_wait3A_226 : memref<128x96xf32, #tpu.memory_space<hbm>>) dst(%dma_wait3A_222 : memref<128x96xf32, #tpu.memory_space<vmem>>)
      %gt3A = arith.constant 0 : i32
      %gt3A_227 = arith.cmpi sgt, %scan3A_186, %gt3A : i32
      %convert_element_type3A = arith.extui %gt3A_227 : i1 to i32
      %cond3A = arith.constant 0 : i32
      %cond3A_228 = arith.cmpi ne, %convert_element_type3A, %cond3A : i32
      scf.if %cond3A_228 {
        %dma_wait3A_415 = arith.constant 0 : i32
        %dma_wait3A_416 = arith.constant 0 : i32
        %dma_wait3A_417 = arith.constant 0 : i32
        %dma_wait3A_418 = tpu.memref_slice %arg8[%dma_wait3A_415, %dma_wait3A_416, %dma_wait3A_417] : memref<2x96x128xf32, #tpu.memory_space<vmem>> -> memref<1x96x128xf32, #tpu.memory_space<vmem>>
        %dma_wait3A_419 = tpu.memref_squeeze %dma_wait3A_418 : memref<1x96x128xf32, #tpu.memory_space<vmem>> -> memref<96x128xf32, #tpu.memory_space<vmem>>
        %dma_wait3A_420 = arith.constant 0 : i32
        %dma_wait3A_421 = arith.constant 0 : i32
        %dma_wait3A_422 = tpu.memref_slice %arg4[%dma_wait3A_420, %dma_wait3A_421] : memref<301056x128xf32, #tpu.memory_space<hbm>> -> memref<96x128xf32, #tpu.memory_space<hbm>>
        %dma_wait3A_423 = arith.constant 0 : i32
        %dma_wait3A_424 = arith.constant 0 : i32
        %dma_wait3A_425 = tpu.memref_slice %arg4[%dma_wait3A_423, %dma_wait3A_424] : memref<301056x128xf32, #tpu.memory_space<hbm>> -> memref<96x128xf32, #tpu.memory_space<hbm>>
        %dma_wait3A_426 = arith.constant 0 : i32
        %dma_wait3A_427 = arith.constant 0 : i32
        %dma_wait3A_428 = tpu.memref_slice %arg8[%dma_wait3A_415, %dma_wait3A_426, %dma_wait3A_427] : memref<2x96x128xf32, #tpu.memory_space<vmem>> -> memref<1x96x128xf32, #tpu.memory_space<vmem>>
        %dma_wait3A_429 = tpu.memref_squeeze %dma_wait3A_428 : memref<1x96x128xf32, #tpu.memory_space<vmem>> -> memref<96x128xf32, #tpu.memory_space<vmem>>
        tpu.wait_dma2 semaphore(%arg12 : memref<!tpu.dma_semaphore, #tpu.memory_space<semaphore_mem>>) src(%dma_wait3A_429 : memref<96x128xf32, #tpu.memory_space<vmem>>) dst(%dma_wait3A_425 : memref<96x128xf32, #tpu.memory_space<hbm>>)
        %dma_wait3A_430 = arith.constant 0 : i32
        %dma_wait3A_431 = arith.constant 0 : i32
        %dma_wait3A_432 = arith.constant 0 : i32
        %dma_wait3A_433 = tpu.memref_slice %arg9[%dma_wait3A_430, %dma_wait3A_431, %dma_wait3A_432] : memref<2x96x128xf32, #tpu.memory_space<vmem>> -> memref<1x96x128xf32, #tpu.memory_space<vmem>>
        %dma_wait3A_434 = tpu.memref_squeeze %dma_wait3A_433 : memref<1x96x128xf32, #tpu.memory_space<vmem>> -> memref<96x128xf32, #tpu.memory_space<vmem>>
        %dma_wait3A_435 = arith.constant 0 : i32
        %dma_wait3A_436 = arith.constant 0 : i32
        %dma_wait3A_437 = tpu.memref_slice %arg5[%dma_wait3A_435, %dma_wait3A_436] : memref<301056x128xf32, #tpu.memory_space<hbm>> -> memref<96x128xf32, #tpu.memory_space<hbm>>
        %dma_wait3A_438 = arith.constant 0 : i32
        %dma_wait3A_439 = arith.constant 0 : i32
        %dma_wait3A_440 = tpu.memref_slice %arg5[%dma_wait3A_438, %dma_wait3A_439] : memref<301056x128xf32, #tpu.memory_space<hbm>> -> memref<96x128xf32, #tpu.memory_space<hbm>>
        %dma_wait3A_441 = arith.constant 0 : i32
        %dma_wait3A_442 = arith.constant 0 : i32
        %dma_wait3A_443 = tpu.memref_slice %arg9[%dma_wait3A_430, %dma_wait3A_441, %dma_wait3A_442] : memref<2x96x128xf32, #tpu.memory_space<vmem>> -> memref<1x96x128xf32, #tpu.memory_space<vmem>>
        %dma_wait3A_444 = tpu.memref_squeeze %dma_wait3A_443 : memref<1x96x128xf32, #tpu.memory_space<vmem>> -> memref<96x128xf32, #tpu.memory_space<vmem>>
        tpu.wait_dma2 semaphore(%arg12 : memref<!tpu.dma_semaphore, #tpu.memory_space<semaphore_mem>>) src(%dma_wait3A_444 : memref<96x128xf32, #tpu.memory_space<vmem>>) dst(%dma_wait3A_440 : memref<96x128xf32, #tpu.memory_space<hbm>>)
      } else {
      }
      %parallel_loop3A = arith.constant 0 : i32
      %parallel_loop3A_229 = arith.constant 128 : i32
      %parallel_loop3A_230 = arith.constant 1 : i32
      %parallel_loop3A_231 = arith.constant 0 : i32
      %parallel_loop3A_232 = arith.constant 0 : i32
      %parallel_loop3A_233 = arith.constant 0 : i32
      %parallel_loop3A_234 = arith.constant 0 : i32
      scf.for %parallel_loop3A_415 = %parallel_loop3A to %parallel_loop3A_229 step %parallel_loop3A_230  : i32 {
        %parallel_loop3A_416 = arith.constant 0 : i32
        %parallel_loop3A_417 = arith.constant 0 : i32
        %parallel_loop3A_418 = tpu.memref_slice %arg6[%parallel_loop3A_231, %parallel_loop3A_416, %parallel_loop3A_417] : memref<2x128x96xf32, #tpu.memory_space<vmem>> -> memref<1x128x96xf32, #tpu.memory_space<vmem>>
        %parallel_loop3A_419 = tpu.memref_squeeze %parallel_loop3A_418 : memref<1x128x96xf32, #tpu.memory_space<vmem>> -> memref<128x96xf32, #tpu.memory_space<vmem>>
        %parallel_loop3A_420 = arith.index_cast %parallel_loop3A_415 : i32 to index
        %parallel_loop3A_421 = arith.constant 0 : index
        %parallel_loop3A_422 = tpu.vector_load %parallel_loop3A_419[%parallel_loop3A_420, %parallel_loop3A_421] {strides = array<i32>} : memref<128x96xf32, #tpu.memory_space<vmem>>, vector<1x16xf32>,
        %parallel_loop3A_423 = vector.shape_cast %parallel_loop3A_422 : vector<1x16xf32> to vector<16xf32>
        %parallel_loop3A_424 = arith.constant 0 : i32
        %parallel_loop3A_425 = arith.constant 0 : i32
        %parallel_loop3A_426 = tpu.memref_slice %arg7[%parallel_loop3A_232, %parallel_loop3A_424, %parallel_loop3A_425] : memref<2x128x96xf32, #tpu.memory_space<vmem>> -> memref<1x128x96xf32, #tpu.memory_space<vmem>>
        %parallel_loop3A_427 = tpu.memref_squeeze %parallel_loop3A_426 : memref<1x128x96xf32, #tpu.memory_space<vmem>> -> memref<128x96xf32, #tpu.memory_space<vmem>>
        %parallel_loop3A_428 = arith.index_cast %parallel_loop3A_415 : i32 to index
        %parallel_loop3A_429 = arith.constant 0 : index
        %parallel_loop3A_430 = tpu.vector_load %parallel_loop3A_427[%parallel_loop3A_428, %parallel_loop3A_429] {strides = array<i32>} : memref<128x96xf32, #tpu.memory_space<vmem>>, vector<1x16xf32>,
        %parallel_loop3A_431 = vector.shape_cast %parallel_loop3A_430 : vector<1x16xf32> to vector<16xf32>
        %parallel_loop3A_432 = arith.constant 96 : i32
        %parallel_loop3A_433 = arith.muli %parallel_loop3A_415, %parallel_loop3A_432 : i32
        %parallel_loop3A_434 = arith.constant 0 : i32
        %parallel_loop3A_435 = arith.addi %parallel_loop3A_433, %parallel_loop3A_434 : i32
        %parallel_loop3A_436 = arith.constant 128 : i32
        %parallel_loop3A_437 = arith.divsi %parallel_loop3A_435, %parallel_loop3A_436 : i32
        %parallel_loop3A_438 = arith.constant 0 : i32
        %parallel_loop3A_439 = arith.cmpi sgt, %parallel_loop3A_435, %parallel_loop3A_438 : i32
        %parallel_loop3A_440 = arith.extui %parallel_loop3A_439 : i1 to i32
        %parallel_loop3A_441 = arith.constant 0 : i32
        %parallel_loop3A_442 = arith.cmpi slt, %parallel_loop3A_435, %parallel_loop3A_441 : i32
        %parallel_loop3A_443 = arith.extui %parallel_loop3A_442 : i1 to i32
        %parallel_loop3A_444 = arith.subi %parallel_loop3A_440, %parallel_loop3A_443 : i32
        %parallel_loop3A_445 = arith.constant 0 : i32
        %parallel_loop3A_446 = arith.cmpi sgt, %parallel_loop3A_436, %parallel_loop3A_445 : i32
        %parallel_loop3A_447 = arith.extui %parallel_loop3A_446 : i1 to i32
        %parallel_loop3A_448 = arith.constant 0 : i32
        %parallel_loop3A_449 = arith.cmpi slt, %parallel_loop3A_436, %parallel_loop3A_448 : i32
        %parallel_loop3A_450 = arith.extui %parallel_loop3A_449 : i1 to i32
        %parallel_loop3A_451 = arith.subi %parallel_loop3A_447, %parallel_loop3A_450 : i32
        %parallel_loop3A_452 = arith.cmpi ne, %parallel_loop3A_444, %parallel_loop3A_451 : i32
        %parallel_loop3A_453 = arith.remsi %parallel_loop3A_435, %parallel_loop3A_436 : i32
        %parallel_loop3A_454 = arith.constant 0 : i32
        %parallel_loop3A_455 = arith.cmpi ne, %parallel_loop3A_453, %parallel_loop3A_454 : i32
        %parallel_loop3A_456 = arith.andi %parallel_loop3A_452, %parallel_loop3A_455 : i1
        %parallel_loop3A_457 = arith.constant 1 : i32
        %parallel_loop3A_458 = arith.subi %parallel_loop3A_437, %parallel_loop3A_457 : i32
        %parallel_loop3A_459 = arith.select %parallel_loop3A_456, %parallel_loop3A_458, %parallel_loop3A_437 : i32
        %parallel_loop3A_460 = arith.constant 128 : i32
        %parallel_loop3A_461 = arith.constant 0 : i32
        %parallel_loop3A_462 = arith.cmpi eq, %parallel_loop3A_460, %parallel_loop3A_461 : i32
        %parallel_loop3A_463 = arith.constant 1 : i32
        %parallel_loop3A_464 = arith.select %parallel_loop3A_462, %parallel_loop3A_463, %parallel_loop3A_460 : i32
        %parallel_loop3A_465 = arith.remsi %parallel_loop3A_435, %parallel_loop3A_464 : i32
        %parallel_loop3A_466 = arith.constant 0 : i32
        %parallel_loop3A_467 = arith.cmpi ne, %parallel_loop3A_465, %parallel_loop3A_466 : i32
        %parallel_loop3A_468 = arith.constant 0 : i32
        %parallel_loop3A_469 = arith.cmpi slt, %parallel_loop3A_465, %parallel_loop3A_468 : i32
        %parallel_loop3A_470 = arith.constant 0 : i32
        %parallel_loop3A_471 = arith.cmpi slt, %parallel_loop3A_464, %parallel_loop3A_470 : i32
        %parallel_loop3A_472 = arith.xori %parallel_loop3A_469, %parallel_loop3A_471 : i1
        %parallel_loop3A_473 = arith.andi %parallel_loop3A_472, %parallel_loop3A_467 : i1
        %parallel_loop3A_474 = arith.addi %parallel_loop3A_465, %parallel_loop3A_464 : i32
        %parallel_loop3A_475 = arith.select %parallel_loop3A_473, %parallel_loop3A_474, %parallel_loop3A_465 : i32
        %parallel_loop3A_476 = arith.select %eq3A_57, %parallel_loop3A_431, %parallel_loop3A_423 : vector<16xi1>, vector<16xf32>
        %parallel_loop3A_477 = arith.constant 0 : i32
        %parallel_loop3A_478 = arith.constant 0 : i32
        %parallel_loop3A_479 = tpu.memref_slice %arg8[%parallel_loop3A_233, %parallel_loop3A_477, %parallel_loop3A_478] : memref<2x96x128xf32, #tpu.memory_space<vmem>> -> memref<1x96x128xf32, #tpu.memory_space<vmem>>
        %parallel_loop3A_480 = tpu.memref_squeeze %parallel_loop3A_479 : memref<1x96x128xf32, #tpu.memory_space<vmem>> -> memref<96x128xf32, #tpu.memory_space<vmem>>
        %parallel_loop3A_481 = arith.index_cast %parallel_loop3A_459 : i32 to index
        %parallel_loop3A_482 = arith.index_cast %parallel_loop3A_475 : i32 to index
        %parallel_loop3A_483 = tpu.vector_load %parallel_loop3A_480[%parallel_loop3A_481, %parallel_loop3A_482] {strides = array<i32>} : memref<96x128xf32, #tpu.memory_space<vmem>>, vector<1x16xf32>,
        %parallel_loop3A_484 = vector.shape_cast %parallel_loop3A_483 : vector<1x16xf32> to vector<16xf32>
        %parallel_loop3A_485 = vector.shape_cast %parallel_loop3A_476 : vector<16xf32> to vector<1x16xf32>
        tpu.vector_store %parallel_loop3A_480[%parallel_loop3A_481, %parallel_loop3A_482], %parallel_loop3A_485 {strides = array<i32>} : memref<96x128xf32, #tpu.memory_space<vmem>>, vector<1x16xf32>,
        %parallel_loop3A_486 = arith.select %eq3A_57, %parallel_loop3A_423, %parallel_loop3A_431 : vector<16xi1>, vector<16xf32>
        %parallel_loop3A_487 = arith.constant 0 : i32
        %parallel_loop3A_488 = arith.constant 0 : i32
        %parallel_loop3A_489 = tpu.memref_slice %arg9[%parallel_loop3A_234, %parallel_loop3A_487, %parallel_loop3A_488] : memref<2x96x128xf32, #tpu.memory_space<vmem>> -> memref<1x96x128xf32, #tpu.memory_space<vmem>>
        %parallel_loop3A_490 = tpu.memref_squeeze %parallel_loop3A_489 : memref<1x96x128xf32, #tpu.memory_space<vmem>> -> memref<96x128xf32, #tpu.memory_space<vmem>>
        %parallel_loop3A_491 = arith.index_cast %parallel_loop3A_459 : i32 to index
        %parallel_loop3A_492 = arith.index_cast %parallel_loop3A_475 : i32 to index
        %parallel_loop3A_493 = tpu.vector_load %parallel_loop3A_490[%parallel_loop3A_491, %parallel_loop3A_492] {strides = array<i32>} : memref<96x128xf32, #tpu.memory_space<vmem>>, vector<1x16xf32>,
        %parallel_loop3A_494 = vector.shape_cast %parallel_loop3A_493 : vector<1x16xf32> to vector<16xf32>
        %parallel_loop3A_495 = vector.shape_cast %parallel_loop3A_486 : vector<16xf32> to vector<1x16xf32>
        tpu.vector_store %parallel_loop3A_490[%parallel_loop3A_491, %parallel_loop3A_492], %parallel_loop3A_495 {strides = array<i32>} : memref<96x128xf32, #tpu.memory_space<vmem>>, vector<1x16xf32>,
        %parallel_loop3A_496 = arith.constant 0 : i32
        %parallel_loop3A_497 = arith.constant 0 : i32
        %parallel_loop3A_498 = tpu.memref_slice %arg6[%parallel_loop3A_231, %parallel_loop3A_496, %parallel_loop3A_497] : memref<2x128x96xf32, #tpu.memory_space<vmem>> -> memref<1x128x96xf32, #tpu.memory_space<vmem>>
        %parallel_loop3A_499 = tpu.memref_squeeze %parallel_loop3A_498 : memref<1x128x96xf32, #tpu.memory_space<vmem>> -> memref<128x96xf32, #tpu.memory_space<vmem>>
        %parallel_loop3A_500 = arith.index_cast %parallel_loop3A_415 : i32 to index
        %parallel_loop3A_501 = arith.constant 16 : index
        %parallel_loop3A_502 = tpu.vector_load %parallel_loop3A_499[%parallel_loop3A_500, %parallel_loop3A_501] {strides = array<i32>} : memref<128x96xf32, #tpu.memory_space<vmem>>, vector<1x16xf32>,
        %parallel_loop3A_503 = vector.shape_cast %parallel_loop3A_502 : vector<1x16xf32> to vector<16xf32>
        %parallel_loop3A_504 = arith.constant 0 : i32
        %parallel_loop3A_505 = arith.constant 0 : i32
        %parallel_loop3A_506 = tpu.memref_slice %arg7[%parallel_loop3A_232, %parallel_loop3A_504, %parallel_loop3A_505] : memref<2x128x96xf32, #tpu.memory_space<vmem>> -> memref<1x128x96xf32, #tpu.memory_space<vmem>>
        %parallel_loop3A_507 = tpu.memref_squeeze %parallel_loop3A_506 : memref<1x128x96xf32, #tpu.memory_space<vmem>> -> memref<128x96xf32, #tpu.memory_space<vmem>>
        %parallel_loop3A_508 = arith.index_cast %parallel_loop3A_415 : i32 to index
        %parallel_loop3A_509 = arith.constant 16 : index
        %parallel_loop3A_510 = tpu.vector_load %parallel_loop3A_507[%parallel_loop3A_508, %parallel_loop3A_509] {strides = array<i32>} : memref<128x96xf32, #tpu.memory_space<vmem>>, vector<1x16xf32>,
        %parallel_loop3A_511 = vector.shape_cast %parallel_loop3A_510 : vector<1x16xf32> to vector<16xf32>
        %parallel_loop3A_512 = arith.constant 96 : i32
        %parallel_loop3A_513 = arith.muli %parallel_loop3A_415, %parallel_loop3A_512 : i32
        %parallel_loop3A_514 = arith.constant 16 : i32
        %parallel_loop3A_515 = arith.addi %parallel_loop3A_513, %parallel_loop3A_514 : i32
        %parallel_loop3A_516 = arith.constant 128 : i32
        %parallel_loop3A_517 = arith.divsi %parallel_loop3A_515, %parallel_loop3A_516 : i32
        %parallel_loop3A_518 = arith.constant 0 : i32
        %parallel_loop3A_519 = arith.cmpi sgt, %parallel_loop3A_515, %parallel_loop3A_518 : i32
        %parallel_loop3A_520 = arith.extui %parallel_loop3A_519 : i1 to i32
        %parallel_loop3A_521 = arith.constant 0 : i32
        %parallel_loop3A_522 = arith.cmpi slt, %parallel_loop3A_515, %parallel_loop3A_521 : i32
        %parallel_loop3A_523 = arith.extui %parallel_loop3A_522 : i1 to i32
        %parallel_loop3A_524 = arith.subi %parallel_loop3A_520, %parallel_loop3A_523 : i32
        %parallel_loop3A_525 = arith.constant 0 : i32
        %parallel_loop3A_526 = arith.cmpi sgt, %parallel_loop3A_516, %parallel_loop3A_525 : i32
        %parallel_loop3A_527 = arith.extui %parallel_loop3A_526 : i1 to i32
        %parallel_loop3A_528 = arith.constant 0 : i32
        %parallel_loop3A_529 = arith.cmpi slt, %parallel_loop3A_516, %parallel_loop3A_528 : i32
        %parallel_loop3A_530 = arith.extui %parallel_loop3A_529 : i1 to i32
        %parallel_loop3A_531 = arith.subi %parallel_loop3A_527, %parallel_loop3A_530 : i32
        %parallel_loop3A_532 = arith.cmpi ne, %parallel_loop3A_524, %parallel_loop3A_531 : i32
        %parallel_loop3A_533 = arith.remsi %parallel_loop3A_515, %parallel_loop3A_516 : i32
        %parallel_loop3A_534 = arith.constant 0 : i32
        %parallel_loop3A_535 = arith.cmpi ne, %parallel_loop3A_533, %parallel_loop3A_534 : i32
        %parallel_loop3A_536 = arith.andi %parallel_loop3A_532, %parallel_loop3A_535 : i1
        %parallel_loop3A_537 = arith.constant 1 : i32
        %parallel_loop3A_538 = arith.subi %parallel_loop3A_517, %parallel_loop3A_537 : i32
        %parallel_loop3A_539 = arith.select %parallel_loop3A_536, %parallel_loop3A_538, %parallel_loop3A_517 : i32
        %parallel_loop3A_540 = arith.constant 128 : i32
        %parallel_loop3A_541 = arith.constant 0 : i32
        %parallel_loop3A_542 = arith.cmpi eq, %parallel_loop3A_540, %parallel_loop3A_541 : i32
        %parallel_loop3A_543 = arith.constant 1 : i32
        %parallel_loop3A_544 = arith.select %parallel_loop3A_542, %parallel_loop3A_543, %parallel_loop3A_540 : i32
        %parallel_loop3A_545 = arith.remsi %parallel_loop3A_515, %parallel_loop3A_544 : i32
        %parallel_loop3A_546 = arith.constant 0 : i32
        %parallel_loop3A_547 = arith.cmpi ne, %parallel_loop3A_545, %parallel_loop3A_546 : i32
        %parallel_loop3A_548 = arith.constant 0 : i32
        %parallel_loop3A_549 = arith.cmpi slt, %parallel_loop3A_545, %parallel_loop3A_548 : i32
        %parallel_loop3A_550 = arith.constant 0 : i32
        %parallel_loop3A_551 = arith.cmpi slt, %parallel_loop3A_544, %parallel_loop3A_550 : i32
        %parallel_loop3A_552 = arith.xori %parallel_loop3A_549, %parallel_loop3A_551 : i1
        %parallel_loop3A_553 = arith.andi %parallel_loop3A_552, %parallel_loop3A_547 : i1
        %parallel_loop3A_554 = arith.addi %parallel_loop3A_545, %parallel_loop3A_544 : i32
        %parallel_loop3A_555 = arith.select %parallel_loop3A_553, %parallel_loop3A_554, %parallel_loop3A_545 : i32
        %parallel_loop3A_556 = arith.select %eq3A_57, %parallel_loop3A_511, %parallel_loop3A_503 : vector<16xi1>, vector<16xf32>
        %parallel_loop3A_557 = arith.constant 0 : i32
        %parallel_loop3A_558 = arith.constant 0 : i32
        %parallel_loop3A_559 = tpu.memref_slice %arg8[%parallel_loop3A_233, %parallel_loop3A_557, %parallel_loop3A_558] : memref<2x96x128xf32, #tpu.memory_space<vmem>> -> memref<1x96x128xf32, #tpu.memory_space<vmem>>
        %parallel_loop3A_560 = tpu.memref_squeeze %parallel_loop3A_559 : memref<1x96x128xf32, #tpu.memory_space<vmem>> -> memref<96x128xf32, #tpu.memory_space<vmem>>
        %parallel_loop3A_561 = arith.index_cast %parallel_loop3A_539 : i32 to index
        %parallel_loop3A_562 = arith.index_cast %parallel_loop3A_555 : i32 to index
        %parallel_loop3A_563 = tpu.vector_load %parallel_loop3A_560[%parallel_loop3A_561, %parallel_loop3A_562] {strides = array<i32>} : memref<96x128xf32, #tpu.memory_space<vmem>>, vector<1x16xf32>,
        %parallel_loop3A_564 = vector.shape_cast %parallel_loop3A_563 : vector<1x16xf32> to vector<16xf32>
        %parallel_loop3A_565 = vector.shape_cast %parallel_loop3A_556 : vector<16xf32> to vector<1x16xf32>
        tpu.vector_store %parallel_loop3A_560[%parallel_loop3A_561, %parallel_loop3A_562], %parallel_loop3A_565 {strides = array<i32>} : memref<96x128xf32, #tpu.memory_space<vmem>>, vector<1x16xf32>,
        %parallel_loop3A_566 = arith.select %eq3A_57, %parallel_loop3A_503, %parallel_loop3A_511 : vector<16xi1>, vector<16xf32>
        %parallel_loop3A_567 = arith.constant 0 : i32
        %parallel_loop3A_568 = arith.constant 0 : i32
        %parallel_loop3A_569 = tpu.memref_slice %arg9[%parallel_loop3A_234, %parallel_loop3A_567, %parallel_loop3A_568] : memref<2x96x128xf32, #tpu.memory_space<vmem>> -> memref<1x96x128xf32, #tpu.memory_space<vmem>>
        %parallel_loop3A_570 = tpu.memref_squeeze %parallel_loop3A_569 : memref<1x96x128xf32, #tpu.memory_space<vmem>> -> memref<96x128xf32, #tpu.memory_space<vmem>>
        %parallel_loop3A_571 = arith.index_cast %parallel_loop3A_539 : i32 to index
        %parallel_loop3A_572 = arith.index_cast %parallel_loop3A_555 : i32 to index
        %parallel_loop3A_573 = tpu.vector_load %parallel_loop3A_570[%parallel_loop3A_571, %parallel_loop3A_572] {strides = array<i32>} : memref<96x128xf32, #tpu.memory_space<vmem>>, vector<1x16xf32>,
        %parallel_loop3A_574 = vector.shape_cast %parallel_loop3A_573 : vector<1x16xf32> to vector<16xf32>
        %parallel_loop3A_575 = vector.shape_cast %parallel_loop3A_566 : vector<16xf32> to vector<1x16xf32>
        tpu.vector_store %parallel_loop3A_570[%parallel_loop3A_571, %parallel_loop3A_572], %parallel_loop3A_575 {strides = array<i32>} : memref<96x128xf32, #tpu.memory_space<vmem>>, vector<1x16xf32>,
        %parallel_loop3A_576 = arith.constant 0 : i32
        %parallel_loop3A_577 = arith.constant 0 : i32
        %parallel_loop3A_578 = tpu.memref_slice %arg6[%parallel_loop3A_231, %parallel_loop3A_576, %parallel_loop3A_577] : memref<2x128x96xf32, #tpu.memory_space<vmem>> -> memref<1x128x96xf32, #tpu.memory_space<vmem>>
        %parallel_loop3A_579 = tpu.memref_squeeze %parallel_loop3A_578 : memref<1x128x96xf32, #tpu.memory_space<vmem>> -> memref<128x96xf32, #tpu.memory_space<vmem>>
        %parallel_loop3A_580 = arith.index_cast %parallel_loop3A_415 : i32 to index
        %parallel_loop3A_581 = arith.constant 32 : index
        %parallel_loop3A_582 = tpu.vector_load %parallel_loop3A_579[%parallel_loop3A_580, %parallel_loop3A_581] {strides = array<i32>} : memref<128x96xf32, #tpu.memory_space<vmem>>, vector<1x16xf32>,
        %parallel_loop3A_583 = vector.shape_cast %parallel_loop3A_582 : vector<1x16xf32> to vector<16xf32>
        %parallel_loop3A_584 = arith.constant 0 : i32
        %parallel_loop3A_585 = arith.constant 0 : i32
        %parallel_loop3A_586 = tpu.memref_slice %arg7[%parallel_loop3A_232, %parallel_loop3A_584, %parallel_loop3A_585] : memref<2x128x96xf32, #tpu.memory_space<vmem>> -> memref<1x128x96xf32, #tpu.memory_space<vmem>>
        %parallel_loop3A_587 = tpu.memref_squeeze %parallel_loop3A_586 : memref<1x128x96xf32, #tpu.memory_space<vmem>> -> memref<128x96xf32, #tpu.memory_space<vmem>>
        %parallel_loop3A_588 = arith.index_cast %parallel_loop3A_415 : i32 to index
        %parallel_loop3A_589 = arith.constant 32 : index
        %parallel_loop3A_590 = tpu.vector_load %parallel_loop3A_587[%parallel_loop3A_588, %parallel_loop3A_589] {strides = array<i32>} : memref<128x96xf32, #tpu.memory_space<vmem>>, vector<1x16xf32>,
        %parallel_loop3A_591 = vector.shape_cast %parallel_loop3A_590 : vector<1x16xf32> to vector<16xf32>
        %parallel_loop3A_592 = arith.constant 96 : i32
        %parallel_loop3A_593 = arith.muli %parallel_loop3A_415, %parallel_loop3A_592 : i32
        %parallel_loop3A_594 = arith.constant 32 : i32
        %parallel_loop3A_595 = arith.addi %parallel_loop3A_593, %parallel_loop3A_594 : i32
        %parallel_loop3A_596 = arith.constant 128 : i32
        %parallel_loop3A_597 = arith.divsi %parallel_loop3A_595, %parallel_loop3A_596 : i32
        %parallel_loop3A_598 = arith.constant 0 : i32
        %parallel_loop3A_599 = arith.cmpi sgt, %parallel_loop3A_595, %parallel_loop3A_598 : i32
        %parallel_loop3A_600 = arith.extui %parallel_loop3A_599 : i1 to i32
        %parallel_loop3A_601 = arith.constant 0 : i32
        %parallel_loop3A_602 = arith.cmpi slt, %parallel_loop3A_595, %parallel_loop3A_601 : i32
        %parallel_loop3A_603 = arith.extui %parallel_loop3A_602 : i1 to i32
        %parallel_loop3A_604 = arith.subi %parallel_loop3A_600, %parallel_loop3A_603 : i32
        %parallel_loop3A_605 = arith.constant 0 : i32
        %parallel_loop3A_606 = arith.cmpi sgt, %parallel_loop3A_596, %parallel_loop3A_605 : i32
        %parallel_loop3A_607 = arith.extui %parallel_loop3A_606 : i1 to i32
        %parallel_loop3A_608 = arith.constant 0 : i32
        %parallel_loop3A_609 = arith.cmpi slt, %parallel_loop3A_596, %parallel_loop3A_608 : i32
        %parallel_loop3A_610 = arith.extui %parallel_loop3A_609 : i1 to i32
        %parallel_loop3A_611 = arith.subi %parallel_loop3A_607, %parallel_loop3A_610 : i32
        %parallel_loop3A_612 = arith.cmpi ne, %parallel_loop3A_604, %parallel_loop3A_611 : i32
        %parallel_loop3A_613 = arith.remsi %parallel_loop3A_595, %parallel_loop3A_596 : i32
        %parallel_loop3A_614 = arith.constant 0 : i32
        %parallel_loop3A_615 = arith.cmpi ne, %parallel_loop3A_613, %parallel_loop3A_614 : i32
        %parallel_loop3A_616 = arith.andi %parallel_loop3A_612, %parallel_loop3A_615 : i1
        %parallel_loop3A_617 = arith.constant 1 : i32
        %parallel_loop3A_618 = arith.subi %parallel_loop3A_597, %parallel_loop3A_617 : i32
        %parallel_loop3A_619 = arith.select %parallel_loop3A_616, %parallel_loop3A_618, %parallel_loop3A_597 : i32
        %parallel_loop3A_620 = arith.constant 128 : i32
        %parallel_loop3A_621 = arith.constant 0 : i32
        %parallel_loop3A_622 = arith.cmpi eq, %parallel_loop3A_620, %parallel_loop3A_621 : i32
        %parallel_loop3A_623 = arith.constant 1 : i32
        %parallel_loop3A_624 = arith.select %parallel_loop3A_622, %parallel_loop3A_623, %parallel_loop3A_620 : i32
        %parallel_loop3A_625 = arith.remsi %parallel_loop3A_595, %parallel_loop3A_624 : i32
        %parallel_loop3A_626 = arith.constant 0 : i32
        %parallel_loop3A_627 = arith.cmpi ne, %parallel_loop3A_625, %parallel_loop3A_626 : i32
        %parallel_loop3A_628 = arith.constant 0 : i32
        %parallel_loop3A_629 = arith.cmpi slt, %parallel_loop3A_625, %parallel_loop3A_628 : i32
        %parallel_loop3A_630 = arith.constant 0 : i32
        %parallel_loop3A_631 = arith.cmpi slt, %parallel_loop3A_624, %parallel_loop3A_630 : i32
        %parallel_loop3A_632 = arith.xori %parallel_loop3A_629, %parallel_loop3A_631 : i1
        %parallel_loop3A_633 = arith.andi %parallel_loop3A_632, %parallel_loop3A_627 : i1
        %parallel_loop3A_634 = arith.addi %parallel_loop3A_625, %parallel_loop3A_624 : i32
        %parallel_loop3A_635 = arith.select %parallel_loop3A_633, %parallel_loop3A_634, %parallel_loop3A_625 : i32
        %parallel_loop3A_636 = arith.select %eq3A_57, %parallel_loop3A_591, %parallel_loop3A_583 : vector<16xi1>, vector<16xf32>
        %parallel_loop3A_637 = arith.constant 0 : i32
        %parallel_loop3A_638 = arith.constant 0 : i32
        %parallel_loop3A_639 = tpu.memref_slice %arg8[%parallel_loop3A_233, %parallel_loop3A_637, %parallel_loop3A_638] : memref<2x96x128xf32, #tpu.memory_space<vmem>> -> memref<1x96x128xf32, #tpu.memory_space<vmem>>
        %parallel_loop3A_640 = tpu.memref_squeeze %parallel_loop3A_639 : memref<1x96x128xf32, #tpu.memory_space<vmem>> -> memref<96x128xf32, #tpu.memory_space<vmem>>
        %parallel_loop3A_641 = arith.index_cast %parallel_loop3A_619 : i32 to index
        %parallel_loop3A_642 = arith.index_cast %parallel_loop3A_635 : i32 to index
        %parallel_loop3A_643 = tpu.vector_load %parallel_loop3A_640[%parallel_loop3A_641, %parallel_loop3A_642] {strides = array<i32>} : memref<96x128xf32, #tpu.memory_space<vmem>>, vector<1x16xf32>,
        %parallel_loop3A_644 = vector.shape_cast %parallel_loop3A_643 : vector<1x16xf32> to vector<16xf32>
        %parallel_loop3A_645 = vector.shape_cast %parallel_loop3A_636 : vector<16xf32> to vector<1x16xf32>
        tpu.vector_store %parallel_loop3A_640[%parallel_loop3A_641, %parallel_loop3A_642], %parallel_loop3A_645 {strides = array<i32>} : memref<96x128xf32, #tpu.memory_space<vmem>>, vector<1x16xf32>,
        %parallel_loop3A_646 = arith.select %eq3A_57, %parallel_loop3A_583, %parallel_loop3A_591 : vector<16xi1>, vector<16xf32>
        %parallel_loop3A_647 = arith.constant 0 : i32
        %parallel_loop3A_648 = arith.constant 0 : i32
        %parallel_loop3A_649 = tpu.memref_slice %arg9[%parallel_loop3A_234, %parallel_loop3A_647, %parallel_loop3A_648] : memref<2x96x128xf32, #tpu.memory_space<vmem>> -> memref<1x96x128xf32, #tpu.memory_space<vmem>>
        %parallel_loop3A_650 = tpu.memref_squeeze %parallel_loop3A_649 : memref<1x96x128xf32, #tpu.memory_space<vmem>> -> memref<96x128xf32, #tpu.memory_space<vmem>>
        %parallel_loop3A_651 = arith.index_cast %parallel_loop3A_619 : i32 to index
        %parallel_loop3A_652 = arith.index_cast %parallel_loop3A_635 : i32 to index
        %parallel_loop3A_653 = tpu.vector_load %parallel_loop3A_650[%parallel_loop3A_651, %parallel_loop3A_652] {strides = array<i32>} : memref<96x128xf32, #tpu.memory_space<vmem>>, vector<1x16xf32>,
        %parallel_loop3A_654 = vector.shape_cast %parallel_loop3A_653 : vector<1x16xf32> to vector<16xf32>
        %parallel_loop3A_655 = vector.shape_cast %parallel_loop3A_646 : vector<16xf32> to vector<1x16xf32>
        tpu.vector_store %parallel_loop3A_650[%parallel_loop3A_651, %parallel_loop3A_652], %parallel_loop3A_655 {strides = array<i32>} : memref<96x128xf32, #tpu.memory_space<vmem>>, vector<1x16xf32>,
        %parallel_loop3A_656 = arith.constant 0 : i32
        %parallel_loop3A_657 = arith.constant 0 : i32
        %parallel_loop3A_658 = tpu.memref_slice %arg6[%parallel_loop3A_231, %parallel_loop3A_656, %parallel_loop3A_657] : memref<2x128x96xf32, #tpu.memory_space<vmem>> -> memref<1x128x96xf32, #tpu.memory_space<vmem>>
        %parallel_loop3A_659 = tpu.memref_squeeze %parallel_loop3A_658 : memref<1x128x96xf32, #tpu.memory_space<vmem>> -> memref<128x96xf32, #tpu.memory_space<vmem>>
        %parallel_loop3A_660 = arith.index_cast %parallel_loop3A_415 : i32 to index
        %parallel_loop3A_661 = arith.constant 48 : index
        %parallel_loop3A_662 = tpu.vector_load %parallel_loop3A_659[%parallel_loop3A_660, %parallel_loop3A_661] {strides = array<i32>} : memref<128x96xf32, #tpu.memory_space<vmem>>, vector<1x16xf32>,
        %parallel_loop3A_663 = vector.shape_cast %parallel_loop3A_662 : vector<1x16xf32> to vector<16xf32>
        %parallel_loop3A_664 = arith.constant 0 : i32
        %parallel_loop3A_665 = arith.constant 0 : i32
        %parallel_loop3A_666 = tpu.memref_slice %arg7[%parallel_loop3A_232, %parallel_loop3A_664, %parallel_loop3A_665] : memref<2x128x96xf32, #tpu.memory_space<vmem>> -> memref<1x128x96xf32, #tpu.memory_space<vmem>>
        %parallel_loop3A_667 = tpu.memref_squeeze %parallel_loop3A_666 : memref<1x128x96xf32, #tpu.memory_space<vmem>> -> memref<128x96xf32, #tpu.memory_space<vmem>>
        %parallel_loop3A_668 = arith.index_cast %parallel_loop3A_415 : i32 to index
        %parallel_loop3A_669 = arith.constant 48 : index
        %parallel_loop3A_670 = tpu.vector_load %parallel_loop3A_667[%parallel_loop3A_668, %parallel_loop3A_669] {strides = array<i32>} : memref<128x96xf32, #tpu.memory_space<vmem>>, vector<1x16xf32>,
        %parallel_loop3A_671 = vector.shape_cast %parallel_loop3A_670 : vector<1x16xf32> to vector<16xf32>
        %parallel_loop3A_672 = arith.constant 96 : i32
        %parallel_loop3A_673 = arith.muli %parallel_loop3A_415, %parallel_loop3A_672 : i32
        %parallel_loop3A_674 = arith.constant 48 : i32
        %parallel_loop3A_675 = arith.addi %parallel_loop3A_673, %parallel_loop3A_674 : i32
        %parallel_loop3A_676 = arith.constant 128 : i32
        %parallel_loop3A_677 = arith.divsi %parallel_loop3A_675, %parallel_loop3A_676 : i32
        %parallel_loop3A_678 = arith.constant 0 : i32
        %parallel_loop3A_679 = arith.cmpi sgt, %parallel_loop3A_675, %parallel_loop3A_678 : i32
        %parallel_loop3A_680 = arith.extui %parallel_loop3A_679 : i1 to i32
        %parallel_loop3A_681 = arith.constant 0 : i32
        %parallel_loop3A_682 = arith.cmpi slt, %parallel_loop3A_675, %parallel_loop3A_681 : i32
        %parallel_loop3A_683 = arith.extui %parallel_loop3A_682 : i1 to i32
        %parallel_loop3A_684 = arith.subi %parallel_loop3A_680, %parallel_loop3A_683 : i32
        %parallel_loop3A_685 = arith.constant 0 : i32
        %parallel_loop3A_686 = arith.cmpi sgt, %parallel_loop3A_676, %parallel_loop3A_685 : i32
        %parallel_loop3A_687 = arith.extui %parallel_loop3A_686 : i1 to i32
        %parallel_loop3A_688 = arith.constant 0 : i32
        %parallel_loop3A_689 = arith.cmpi slt, %parallel_loop3A_676, %parallel_loop3A_688 : i32
        %parallel_loop3A_690 = arith.extui %parallel_loop3A_689 : i1 to i32
        %parallel_loop3A_691 = arith.subi %parallel_loop3A_687, %parallel_loop3A_690 : i32
        %parallel_loop3A_692 = arith.cmpi ne, %parallel_loop3A_684, %parallel_loop3A_691 : i32
        %parallel_loop3A_693 = arith.remsi %parallel_loop3A_675, %parallel_loop3A_676 : i32
        %parallel_loop3A_694 = arith.constant 0 : i32
        %parallel_loop3A_695 = arith.cmpi ne, %parallel_loop3A_693, %parallel_loop3A_694 : i32
        %parallel_loop3A_696 = arith.andi %parallel_loop3A_692, %parallel_loop3A_695 : i1
        %parallel_loop3A_697 = arith.constant 1 : i32
        %parallel_loop3A_698 = arith.subi %parallel_loop3A_677, %parallel_loop3A_697 : i32
        %parallel_loop3A_699 = arith.select %parallel_loop3A_696, %parallel_loop3A_698, %parallel_loop3A_677 : i32
        %parallel_loop3A_700 = arith.constant 128 : i32
        %parallel_loop3A_701 = arith.constant 0 : i32
        %parallel_loop3A_702 = arith.cmpi eq, %parallel_loop3A_700, %parallel_loop3A_701 : i32
        %parallel_loop3A_703 = arith.constant 1 : i32
        %parallel_loop3A_704 = arith.select %parallel_loop3A_702, %parallel_loop3A_703, %parallel_loop3A_700 : i32
        %parallel_loop3A_705 = arith.remsi %parallel_loop3A_675, %parallel_loop3A_704 : i32
        %parallel_loop3A_706 = arith.constant 0 : i32
        %parallel_loop3A_707 = arith.cmpi ne, %parallel_loop3A_705, %parallel_loop3A_706 : i32
        %parallel_loop3A_708 = arith.constant 0 : i32
        %parallel_loop3A_709 = arith.cmpi slt, %parallel_loop3A_705, %parallel_loop3A_708 : i32
        %parallel_loop3A_710 = arith.constant 0 : i32
        %parallel_loop3A_711 = arith.cmpi slt, %parallel_loop3A_704, %parallel_loop3A_710 : i32
        %parallel_loop3A_712 = arith.xori %parallel_loop3A_709, %parallel_loop3A_711 : i1
        %parallel_loop3A_713 = arith.andi %parallel_loop3A_712, %parallel_loop3A_707 : i1
        %parallel_loop3A_714 = arith.addi %parallel_loop3A_705, %parallel_loop3A_704 : i32
        %parallel_loop3A_715 = arith.select %parallel_loop3A_713, %parallel_loop3A_714, %parallel_loop3A_705 : i32
        %parallel_loop3A_716 = arith.select %eq3A_57, %parallel_loop3A_671, %parallel_loop3A_663 : vector<16xi1>, vector<16xf32>
        %parallel_loop3A_717 = arith.constant 0 : i32
        %parallel_loop3A_718 = arith.constant 0 : i32
        %parallel_loop3A_719 = tpu.memref_slice %arg8[%parallel_loop3A_233, %parallel_loop3A_717, %parallel_loop3A_718] : memref<2x96x128xf32, #tpu.memory_space<vmem>> -> memref<1x96x128xf32, #tpu.memory_space<vmem>>
        %parallel_loop3A_720 = tpu.memref_squeeze %parallel_loop3A_719 : memref<1x96x128xf32, #tpu.memory_space<vmem>> -> memref<96x128xf32, #tpu.memory_space<vmem>>
        %parallel_loop3A_721 = arith.index_cast %parallel_loop3A_699 : i32 to index
        %parallel_loop3A_722 = arith.index_cast %parallel_loop3A_715 : i32 to index
        %parallel_loop3A_723 = tpu.vector_load %parallel_loop3A_720[%parallel_loop3A_721, %parallel_loop3A_722] {strides = array<i32>} : memref<96x128xf32, #tpu.memory_space<vmem>>, vector<1x16xf32>,
        %parallel_loop3A_724 = vector.shape_cast %parallel_loop3A_723 : vector<1x16xf32> to vector<16xf32>
        %parallel_loop3A_725 = vector.shape_cast %parallel_loop3A_716 : vector<16xf32> to vector<1x16xf32>
        tpu.vector_store %parallel_loop3A_720[%parallel_loop3A_721, %parallel_loop3A_722], %parallel_loop3A_725 {strides = array<i32>} : memref<96x128xf32, #tpu.memory_space<vmem>>, vector<1x16xf32>,
        %parallel_loop3A_726 = arith.select %eq3A_57, %parallel_loop3A_663, %parallel_loop3A_671 : vector<16xi1>, vector<16xf32>
        %parallel_loop3A_727 = arith.constant 0 : i32
        %parallel_loop3A_728 = arith.constant 0 : i32
        %parallel_loop3A_729 = tpu.memref_slice %arg9[%parallel_loop3A_234, %parallel_loop3A_727, %parallel_loop3A_728] : memref<2x96x128xf32, #tpu.memory_space<vmem>> -> memref<1x96x128xf32, #tpu.memory_space<vmem>>
        %parallel_loop3A_730 = tpu.memref_squeeze %parallel_loop3A_729 : memref<1x96x128xf32, #tpu.memory_space<vmem>> -> memref<96x128xf32, #tpu.memory_space<vmem>>
        %parallel_loop3A_731 = arith.index_cast %parallel_loop3A_699 : i32 to index
        %parallel_loop3A_732 = arith.index_cast %parallel_loop3A_715 : i32 to index
        %parallel_loop3A_733 = tpu.vector_load %parallel_loop3A_730[%parallel_loop3A_731, %parallel_loop3A_732] {strides = array<i32>} : memref<96x128xf32, #tpu.memory_space<vmem>>, vector<1x16xf32>,
        %parallel_loop3A_734 = vector.shape_cast %parallel_loop3A_733 : vector<1x16xf32> to vector<16xf32>
        %parallel_loop3A_735 = vector.shape_cast %parallel_loop3A_726 : vector<16xf32> to vector<1x16xf32>
        tpu.vector_store %parallel_loop3A_730[%parallel_loop3A_731, %parallel_loop3A_732], %parallel_loop3A_735 {strides = array<i32>} : memref<96x128xf32, #tpu.memory_space<vmem>>, vector<1x16xf32>,
        %parallel_loop3A_736 = arith.constant 0 : i32
        %parallel_loop3A_737 = arith.constant 0 : i32
        %parallel_loop3A_738 = tpu.memref_slice %arg6[%parallel_loop3A_231, %parallel_loop3A_736, %parallel_loop3A_737] : memref<2x128x96xf32, #tpu.memory_space<vmem>> -> memref<1x128x96xf32, #tpu.memory_space<vmem>>
        %parallel_loop3A_739 = tpu.memref_squeeze %parallel_loop3A_738 : memref<1x128x96xf32, #tpu.memory_space<vmem>> -> memref<128x96xf32, #tpu.memory_space<vmem>>
        %parallel_loop3A_740 = arith.index_cast %parallel_loop3A_415 : i32 to index
        %parallel_loop3A_741 = arith.constant 64 : index
        %parallel_loop3A_742 = tpu.vector_load %parallel_loop3A_739[%parallel_loop3A_740, %parallel_loop3A_741] {strides = array<i32>} : memref<128x96xf32, #tpu.memory_space<vmem>>, vector<1x16xf32>,
        %parallel_loop3A_743 = vector.shape_cast %parallel_loop3A_742 : vector<1x16xf32> to vector<16xf32>
        %parallel_loop3A_744 = arith.constant 0 : i32
        %parallel_loop3A_745 = arith.constant 0 : i32
        %parallel_loop3A_746 = tpu.memref_slice %arg7[%parallel_loop3A_232, %parallel_loop3A_744, %parallel_loop3A_745] : memref<2x128x96xf32, #tpu.memory_space<vmem>> -> memref<1x128x96xf32, #tpu.memory_space<vmem>>
        %parallel_loop3A_747 = tpu.memref_squeeze %parallel_loop3A_746 : memref<1x128x96xf32, #tpu.memory_space<vmem>> -> memref<128x96xf32, #tpu.memory_space<vmem>>
        %parallel_loop3A_748 = arith.index_cast %parallel_loop3A_415 : i32 to index
        %parallel_loop3A_749 = arith.constant 64 : index
        %parallel_loop3A_750 = tpu.vector_load %parallel_loop3A_747[%parallel_loop3A_748, %parallel_loop3A_749] {strides = array<i32>} : memref<128x96xf32, #tpu.memory_space<vmem>>, vector<1x16xf32>,
        %parallel_loop3A_751 = vector.shape_cast %parallel_loop3A_750 : vector<1x16xf32> to vector<16xf32>
        %parallel_loop3A_752 = arith.constant 96 : i32
        %parallel_loop3A_753 = arith.muli %parallel_loop3A_415, %parallel_loop3A_752 : i32
        %parallel_loop3A_754 = arith.constant 64 : i32
        %parallel_loop3A_755 = arith.addi %parallel_loop3A_753, %parallel_loop3A_754 : i32
        %parallel_loop3A_756 = arith.constant 128 : i32
        %parallel_loop3A_757 = arith.divsi %parallel_loop3A_755, %parallel_loop3A_756 : i32
        %parallel_loop3A_758 = arith.constant 0 : i32
        %parallel_loop3A_759 = arith.cmpi sgt, %parallel_loop3A_755, %parallel_loop3A_758 : i32
        %parallel_loop3A_760 = arith.extui %parallel_loop3A_759 : i1 to i32
        %parallel_loop3A_761 = arith.constant 0 : i32
        %parallel_loop3A_762 = arith.cmpi slt, %parallel_loop3A_755, %parallel_loop3A_761 : i32
        %parallel_loop3A_763 = arith.extui %parallel_loop3A_762 : i1 to i32
        %parallel_loop3A_764 = arith.subi %parallel_loop3A_760, %parallel_loop3A_763 : i32
        %parallel_loop3A_765 = arith.constant 0 : i32
        %parallel_loop3A_766 = arith.cmpi sgt, %parallel_loop3A_756, %parallel_loop3A_765 : i32
        %parallel_loop3A_767 = arith.extui %parallel_loop3A_766 : i1 to i32
        %parallel_loop3A_768 = arith.constant 0 : i32
        %parallel_loop3A_769 = arith.cmpi slt, %parallel_loop3A_756, %parallel_loop3A_768 : i32
        %parallel_loop3A_770 = arith.extui %parallel_loop3A_769 : i1 to i32
        %parallel_loop3A_771 = arith.subi %parallel_loop3A_767, %parallel_loop3A_770 : i32
        %parallel_loop3A_772 = arith.cmpi ne, %parallel_loop3A_764, %parallel_loop3A_771 : i32
        %parallel_loop3A_773 = arith.remsi %parallel_loop3A_755, %parallel_loop3A_756 : i32
        %parallel_loop3A_774 = arith.constant 0 : i32
        %parallel_loop3A_775 = arith.cmpi ne, %parallel_loop3A_773, %parallel_loop3A_774 : i32
        %parallel_loop3A_776 = arith.andi %parallel_loop3A_772, %parallel_loop3A_775 : i1
        %parallel_loop3A_777 = arith.constant 1 : i32
        %parallel_loop3A_778 = arith.subi %parallel_loop3A_757, %parallel_loop3A_777 : i32
        %parallel_loop3A_779 = arith.select %parallel_loop3A_776, %parallel_loop3A_778, %parallel_loop3A_757 : i32
        %parallel_loop3A_780 = arith.constant 128 : i32
        %parallel_loop3A_781 = arith.constant 0 : i32
        %parallel_loop3A_782 = arith.cmpi eq, %parallel_loop3A_780, %parallel_loop3A_781 : i32
        %parallel_loop3A_783 = arith.constant 1 : i32
        %parallel_loop3A_784 = arith.select %parallel_loop3A_782, %parallel_loop3A_783, %parallel_loop3A_780 : i32
        %parallel_loop3A_785 = arith.remsi %parallel_loop3A_755, %parallel_loop3A_784 : i32
        %parallel_loop3A_786 = arith.constant 0 : i32
        %parallel_loop3A_787 = arith.cmpi ne, %parallel_loop3A_785, %parallel_loop3A_786 : i32
        %parallel_loop3A_788 = arith.constant 0 : i32
        %parallel_loop3A_789 = arith.cmpi slt, %parallel_loop3A_785, %parallel_loop3A_788 : i32
        %parallel_loop3A_790 = arith.constant 0 : i32
        %parallel_loop3A_791 = arith.cmpi slt, %parallel_loop3A_784, %parallel_loop3A_790 : i32
        %parallel_loop3A_792 = arith.xori %parallel_loop3A_789, %parallel_loop3A_791 : i1
        %parallel_loop3A_793 = arith.andi %parallel_loop3A_792, %parallel_loop3A_787 : i1
        %parallel_loop3A_794 = arith.addi %parallel_loop3A_785, %parallel_loop3A_784 : i32
        %parallel_loop3A_795 = arith.select %parallel_loop3A_793, %parallel_loop3A_794, %parallel_loop3A_785 : i32
        %parallel_loop3A_796 = arith.select %eq3A_57, %parallel_loop3A_751, %parallel_loop3A_743 : vector<16xi1>, vector<16xf32>
        %parallel_loop3A_797 = arith.constant 0 : i32
        %parallel_loop3A_798 = arith.constant 0 : i32
        %parallel_loop3A_799 = tpu.memref_slice %arg8[%parallel_loop3A_233, %parallel_loop3A_797, %parallel_loop3A_798] : memref<2x96x128xf32, #tpu.memory_space<vmem>> -> memref<1x96x128xf32, #tpu.memory_space<vmem>>
        %parallel_loop3A_800 = tpu.memref_squeeze %parallel_loop3A_799 : memref<1x96x128xf32, #tpu.memory_space<vmem>> -> memref<96x128xf32, #tpu.memory_space<vmem>>
        %parallel_loop3A_801 = arith.index_cast %parallel_loop3A_779 : i32 to index
        %parallel_loop3A_802 = arith.index_cast %parallel_loop3A_795 : i32 to index
        %parallel_loop3A_803 = tpu.vector_load %parallel_loop3A_800[%parallel_loop3A_801, %parallel_loop3A_802] {strides = array<i32>} : memref<96x128xf32, #tpu.memory_space<vmem>>, vector<1x16xf32>,
        %parallel_loop3A_804 = vector.shape_cast %parallel_loop3A_803 : vector<1x16xf32> to vector<16xf32>
        %parallel_loop3A_805 = vector.shape_cast %parallel_loop3A_796 : vector<16xf32> to vector<1x16xf32>
        tpu.vector_store %parallel_loop3A_800[%parallel_loop3A_801, %parallel_loop3A_802], %parallel_loop3A_805 {strides = array<i32>} : memref<96x128xf32, #tpu.memory_space<vmem>>, vector<1x16xf32>,
        %parallel_loop3A_806 = arith.select %eq3A_57, %parallel_loop3A_743, %parallel_loop3A_751 : vector<16xi1>, vector<16xf32>
        %parallel_loop3A_807 = arith.constant 0 : i32
        %parallel_loop3A_808 = arith.constant 0 : i32
        %parallel_loop3A_809 = tpu.memref_slice %arg9[%parallel_loop3A_234, %parallel_loop3A_807, %parallel_loop3A_808] : memref<2x96x128xf32, #tpu.memory_space<vmem>> -> memref<1x96x128xf32, #tpu.memory_space<vmem>>
        %parallel_loop3A_810 = tpu.memref_squeeze %parallel_loop3A_809 : memref<1x96x128xf32, #tpu.memory_space<vmem>> -> memref<96x128xf32, #tpu.memory_space<vmem>>
        %parallel_loop3A_811 = arith.index_cast %parallel_loop3A_779 : i32 to index
        %parallel_loop3A_812 = arith.index_cast %parallel_loop3A_795 : i32 to index
        %parallel_loop3A_813 = tpu.vector_load %parallel_loop3A_810[%parallel_loop3A_811, %parallel_loop3A_812] {strides = array<i32>} : memref<96x128xf32, #tpu.memory_space<vmem>>, vector<1x16xf32>,
        %parallel_loop3A_814 = vector.shape_cast %parallel_loop3A_813 : vector<1x16xf32> to vector<16xf32>
        %parallel_loop3A_815 = vector.shape_cast %parallel_loop3A_806 : vector<16xf32> to vector<1x16xf32>
        tpu.vector_store %parallel_loop3A_810[%parallel_loop3A_811, %parallel_loop3A_812], %parallel_loop3A_815 {strides = array<i32>} : memref<96x128xf32, #tpu.memory_space<vmem>>, vector<1x16xf32>,
        %parallel_loop3A_816 = arith.constant 0 : i32
        %parallel_loop3A_817 = arith.constant 0 : i32
        %parallel_loop3A_818 = tpu.memref_slice %arg6[%parallel_loop3A_231, %parallel_loop3A_816, %parallel_loop3A_817] : memref<2x128x96xf32, #tpu.memory_space<vmem>> -> memref<1x128x96xf32, #tpu.memory_space<vmem>>
        %parallel_loop3A_819 = tpu.memref_squeeze %parallel_loop3A_818 : memref<1x128x96xf32, #tpu.memory_space<vmem>> -> memref<128x96xf32, #tpu.memory_space<vmem>>
        %parallel_loop3A_820 = arith.index_cast %parallel_loop3A_415 : i32 to index
        %parallel_loop3A_821 = arith.constant 80 : index
        %parallel_loop3A_822 = tpu.vector_load %parallel_loop3A_819[%parallel_loop3A_820, %parallel_loop3A_821] {strides = array<i32>} : memref<128x96xf32, #tpu.memory_space<vmem>>, vector<1x16xf32>,
        %parallel_loop3A_823 = vector.shape_cast %parallel_loop3A_822 : vector<1x16xf32> to vector<16xf32>
        %parallel_loop3A_824 = arith.constant 0 : i32
        %parallel_loop3A_825 = arith.constant 0 : i32
        %parallel_loop3A_826 = tpu.memref_slice %arg7[%parallel_loop3A_232, %parallel_loop3A_824, %parallel_loop3A_825] : memref<2x128x96xf32, #tpu.memory_space<vmem>> -> memref<1x128x96xf32, #tpu.memory_space<vmem>>
        %parallel_loop3A_827 = tpu.memref_squeeze %parallel_loop3A_826 : memref<1x128x96xf32, #tpu.memory_space<vmem>> -> memref<128x96xf32, #tpu.memory_space<vmem>>
        %parallel_loop3A_828 = arith.index_cast %parallel_loop3A_415 : i32 to index
        %parallel_loop3A_829 = arith.constant 80 : index
        %parallel_loop3A_830 = tpu.vector_load %parallel_loop3A_827[%parallel_loop3A_828, %parallel_loop3A_829] {strides = array<i32>} : memref<128x96xf32, #tpu.memory_space<vmem>>, vector<1x16xf32>,
        %parallel_loop3A_831 = vector.shape_cast %parallel_loop3A_830 : vector<1x16xf32> to vector<16xf32>
        %parallel_loop3A_832 = arith.constant 96 : i32
        %parallel_loop3A_833 = arith.muli %parallel_loop3A_415, %parallel_loop3A_832 : i32
        %parallel_loop3A_834 = arith.constant 80 : i32
        %parallel_loop3A_835 = arith.addi %parallel_loop3A_833, %parallel_loop3A_834 : i32
        %parallel_loop3A_836 = arith.constant 128 : i32
        %parallel_loop3A_837 = arith.divsi %parallel_loop3A_835, %parallel_loop3A_836 : i32
        %parallel_loop3A_838 = arith.constant 0 : i32
        %parallel_loop3A_839 = arith.cmpi sgt, %parallel_loop3A_835, %parallel_loop3A_838 : i32
        %parallel_loop3A_840 = arith.extui %parallel_loop3A_839 : i1 to i32
        %parallel_loop3A_841 = arith.constant 0 : i32
        %parallel_loop3A_842 = arith.cmpi slt, %parallel_loop3A_835, %parallel_loop3A_841 : i32
        %parallel_loop3A_843 = arith.extui %parallel_loop3A_842 : i1 to i32
        %parallel_loop3A_844 = arith.subi %parallel_loop3A_840, %parallel_loop3A_843 : i32
        %parallel_loop3A_845 = arith.constant 0 : i32
        %parallel_loop3A_846 = arith.cmpi sgt, %parallel_loop3A_836, %parallel_loop3A_845 : i32
        %parallel_loop3A_847 = arith.extui %parallel_loop3A_846 : i1 to i32
        %parallel_loop3A_848 = arith.constant 0 : i32
        %parallel_loop3A_849 = arith.cmpi slt, %parallel_loop3A_836, %parallel_loop3A_848 : i32
        %parallel_loop3A_850 = arith.extui %parallel_loop3A_849 : i1 to i32
        %parallel_loop3A_851 = arith.subi %parallel_loop3A_847, %parallel_loop3A_850 : i32
        %parallel_loop3A_852 = arith.cmpi ne, %parallel_loop3A_844, %parallel_loop3A_851 : i32
        %parallel_loop3A_853 = arith.remsi %parallel_loop3A_835, %parallel_loop3A_836 : i32
        %parallel_loop3A_854 = arith.constant 0 : i32
        %parallel_loop3A_855 = arith.cmpi ne, %parallel_loop3A_853, %parallel_loop3A_854 : i32
        %parallel_loop3A_856 = arith.andi %parallel_loop3A_852, %parallel_loop3A_855 : i1
        %parallel_loop3A_857 = arith.constant 1 : i32
        %parallel_loop3A_858 = arith.subi %parallel_loop3A_837, %parallel_loop3A_857 : i32
        %parallel_loop3A_859 = arith.select %parallel_loop3A_856, %parallel_loop3A_858, %parallel_loop3A_837 : i32
        %parallel_loop3A_860 = arith.constant 128 : i32
        %parallel_loop3A_861 = arith.constant 0 : i32
        %parallel_loop3A_862 = arith.cmpi eq, %parallel_loop3A_860, %parallel_loop3A_861 : i32
        %parallel_loop3A_863 = arith.constant 1 : i32
        %parallel_loop3A_864 = arith.select %parallel_loop3A_862, %parallel_loop3A_863, %parallel_loop3A_860 : i32
        %parallel_loop3A_865 = arith.remsi %parallel_loop3A_835, %parallel_loop3A_864 : i32
        %parallel_loop3A_866 = arith.constant 0 : i32
        %parallel_loop3A_867 = arith.cmpi ne, %parallel_loop3A_865, %parallel_loop3A_866 : i32
        %parallel_loop3A_868 = arith.constant 0 : i32
        %parallel_loop3A_869 = arith.cmpi slt, %parallel_loop3A_865, %parallel_loop3A_868 : i32
        %parallel_loop3A_870 = arith.constant 0 : i32
        %parallel_loop3A_871 = arith.cmpi slt, %parallel_loop3A_864, %parallel_loop3A_870 : i32
        %parallel_loop3A_872 = arith.xori %parallel_loop3A_869, %parallel_loop3A_871 : i1
        %parallel_loop3A_873 = arith.andi %parallel_loop3A_872, %parallel_loop3A_867 : i1
        %parallel_loop3A_874 = arith.addi %parallel_loop3A_865, %parallel_loop3A_864 : i32
        %parallel_loop3A_875 = arith.select %parallel_loop3A_873, %parallel_loop3A_874, %parallel_loop3A_865 : i32
        %parallel_loop3A_876 = arith.select %eq3A_57, %parallel_loop3A_831, %parallel_loop3A_823 : vector<16xi1>, vector<16xf32>
        %parallel_loop3A_877 = arith.constant 0 : i32
        %parallel_loop3A_878 = arith.constant 0 : i32
        %parallel_loop3A_879 = tpu.memref_slice %arg8[%parallel_loop3A_233, %parallel_loop3A_877, %parallel_loop3A_878] : memref<2x96x128xf32, #tpu.memory_space<vmem>> -> memref<1x96x128xf32, #tpu.memory_space<vmem>>
        %parallel_loop3A_880 = tpu.memref_squeeze %parallel_loop3A_879 : memref<1x96x128xf32, #tpu.memory_space<vmem>> -> memref<96x128xf32, #tpu.memory_space<vmem>>
        %parallel_loop3A_881 = arith.index_cast %parallel_loop3A_859 : i32 to index
        %parallel_loop3A_882 = arith.index_cast %parallel_loop3A_875 : i32 to index
        %parallel_loop3A_883 = tpu.vector_load %parallel_loop3A_880[%parallel_loop3A_881, %parallel_loop3A_882] {strides = array<i32>} : memref<96x128xf32, #tpu.memory_space<vmem>>, vector<1x16xf32>,
        %parallel_loop3A_884 = vector.shape_cast %parallel_loop3A_883 : vector<1x16xf32> to vector<16xf32>
        %parallel_loop3A_885 = vector.shape_cast %parallel_loop3A_876 : vector<16xf32> to vector<1x16xf32>
        tpu.vector_store %parallel_loop3A_880[%parallel_loop3A_881, %parallel_loop3A_882], %parallel_loop3A_885 {strides = array<i32>} : memref<96x128xf32, #tpu.memory_space<vmem>>, vector<1x16xf32>,
        %parallel_loop3A_886 = arith.select %eq3A_57, %parallel_loop3A_823, %parallel_loop3A_831 : vector<16xi1>, vector<16xf32>
        %parallel_loop3A_887 = arith.constant 0 : i32
        %parallel_loop3A_888 = arith.constant 0 : i32
        %parallel_loop3A_889 = tpu.memref_slice %arg9[%parallel_loop3A_234, %parallel_loop3A_887, %parallel_loop3A_888] : memref<2x96x128xf32, #tpu.memory_space<vmem>> -> memref<1x96x128xf32, #tpu.memory_space<vmem>>
        %parallel_loop3A_890 = tpu.memref_squeeze %parallel_loop3A_889 : memref<1x96x128xf32, #tpu.memory_space<vmem>> -> memref<96x128xf32, #tpu.memory_space<vmem>>
        %parallel_loop3A_891 = arith.index_cast %parallel_loop3A_859 : i32 to index
        %parallel_loop3A_892 = arith.index_cast %parallel_loop3A_875 : i32 to index
        %parallel_loop3A_893 = tpu.vector_load %parallel_loop3A_890[%parallel_loop3A_891, %parallel_loop3A_892] {strides = array<i32>} : memref<96x128xf32, #tpu.memory_space<vmem>>, vector<1x16xf32>,
        %parallel_loop3A_894 = vector.shape_cast %parallel_loop3A_893 : vector<1x16xf32> to vector<16xf32>
        %parallel_loop3A_895 = vector.shape_cast %parallel_loop3A_886 : vector<16xf32> to vector<1x16xf32>
        tpu.vector_store %parallel_loop3A_890[%parallel_loop3A_891, %parallel_loop3A_892], %parallel_loop3A_895 {strides = array<i32>} : memref<96x128xf32, #tpu.memory_space<vmem>>, vector<1x16xf32>,
      } {sc.loop_unroll_factor = 2 : i64, sc.parallel_access}
      %mul3A_235 = arith.constant 50176 : i32
      %mul3A_236 = arith.muli %select_n3A, %mul3A_235 : i32
      %add3A_237 = arith.addi %mul3A_236, %mul3A_32 : i32
      %mul3A_238 = arith.constant 128 : i32
      %mul3A_239 = arith.muli %add3A_190, %mul3A_238 : i32
      %add3A_240 = arith.addi %add3A_237, %mul3A_239 : i32
      %mul3A_241 = arith.constant 96 : i32
      %mul3A_242 = arith.muli %add3A_240, %mul3A_241 : i32
      %jit3A_243 = arith.constant 128 : i32
      %div3A_244 = arith.divsi %mul3A_242, %jit3A_243 : i32
      %sign3A_245 = arith.constant 0 : i32
      %sign3A_246 = arith.cmpi sgt, %mul3A_242, %sign3A_245 : i32
      %sign3A_247 = arith.extui %sign3A_246 : i1 to i32
      %sign3A_248 = arith.constant 0 : i32
      %sign3A_249 = arith.cmpi slt, %mul3A_242, %sign3A_248 : i32
      %sign3A_250 = arith.extui %sign3A_249 : i1 to i32
      %sign3A_251 = arith.subi %sign3A_247, %sign3A_250 : i32
      %sign3A_252 = arith.constant 0 : i32
      %sign3A_253 = arith.cmpi sgt, %jit3A_243, %sign3A_252 : i32
      %sign3A_254 = arith.extui %sign3A_253 : i1 to i32
      %sign3A_255 = arith.constant 0 : i32
      %sign3A_256 = arith.cmpi slt, %jit3A_243, %sign3A_255 : i32
      %sign3A_257 = arith.extui %sign3A_256 : i1 to i32
      %sign3A_258 = arith.subi %sign3A_254, %sign3A_257 : i32
      %ne3A_259 = arith.cmpi ne, %sign3A_251, %sign3A_258 : i32
      %rem3A_260 = arith.remsi %mul3A_242, %jit3A_243 : i32
      %ne3A_261 = arith.constant 0 : i32
      %ne3A_262 = arith.cmpi ne, %rem3A_260, %ne3A_261 : i32
      %and3A_263 = arith.andi %ne3A_259, %ne3A_262 : i1
      %sub3A_264 = arith.constant 1 : i32
      %sub3A_265 = arith.subi %div3A_244, %sub3A_264 : i32
      %select_n3A_266 = arith.select %and3A_263, %sub3A_265, %div3A_244 : i32
      %multiple_of3A_267 = tpu.assume_multiple %select_n3A_266, 8 : i32
      %dma_start3A_268 = arith.constant 0 : i32
      %dma_start3A_269 = arith.constant 0 : i32
      %dma_start3A_270 = arith.constant 0 : i32
      %dma_start3A_271 = tpu.memref_slice %arg8[%dma_start3A_268, %dma_start3A_269, %dma_start3A_270] : memref<2x96x128xf32, #tpu.memory_space<vmem>> -> memref<1x96x128xf32, #tpu.memory_space<vmem>>
      %dma_start3A_272 = tpu.memref_squeeze %dma_start3A_271 : memref<1x96x128xf32, #tpu.memory_space<vmem>> -> memref<96x128xf32, #tpu.memory_space<vmem>>
      %dma_start3A_273 = arith.constant 0 : i32
      %dma_start3A_274 = tpu.memref_slice %arg4[%multiple_of3A_267, %dma_start3A_273] : memref<301056x128xf32, #tpu.memory_space<hbm>> -> memref<96x128xf32, #tpu.memory_space<hbm>>
      %dma_start3A_275 = arith.constant 0 : i32
      %dma_start3A_276 = tpu.memref_slice %arg4[%multiple_of3A_267, %dma_start3A_275] : memref<301056x128xf32, #tpu.memory_space<hbm>> -> memref<96x128xf32, #tpu.memory_space<hbm>>
      %dma_start3A_277 = arith.constant 0 : i32
      %dma_start3A_278 = arith.constant 0 : i32
      %dma_start3A_279 = tpu.memref_slice %arg8[%dma_start3A_268, %dma_start3A_277, %dma_start3A_278] : memref<2x96x128xf32, #tpu.memory_space<vmem>> -> memref<1x96x128xf32, #tpu.memory_space<vmem>>
      %dma_start3A_280 = tpu.memref_squeeze %dma_start3A_279 : memref<1x96x128xf32, #tpu.memory_space<vmem>> -> memref<96x128xf32, #tpu.memory_space<vmem>>
      tpu.enqueue_dma source(%dma_start3A_280 : memref<96x128xf32, #tpu.memory_space<vmem>>) target(%dma_start3A_276 : memref<96x128xf32, #tpu.memory_space<hbm>>) target_semaphore(%arg12 : memref<!tpu.dma_semaphore, #tpu.memory_space<semaphore_mem>>)
      %dma_start3A_281 = arith.constant 0 : i32
      %dma_start3A_282 = arith.constant 0 : i32
      %dma_start3A_283 = arith.constant 0 : i32
      %dma_start3A_284 = tpu.memref_slice %arg9[%dma_start3A_281, %dma_start3A_282, %dma_start3A_283] : memref<2x96x128xf32, #tpu.memory_space<vmem>> -> memref<1x96x128xf32, #tpu.memory_space<vmem>>
      %dma_start3A_285 = tpu.memref_squeeze %dma_start3A_284 : memref<1x96x128xf32, #tpu.memory_space<vmem>> -> memref<96x128xf32, #tpu.memory_space<vmem>>
      %dma_start3A_286 = arith.constant 0 : i32
      %dma_start3A_287 = tpu.memref_slice %arg5[%multiple_of3A_267, %dma_start3A_286] : memref<301056x128xf32, #tpu.memory_space<hbm>> -> memref<96x128xf32, #tpu.memory_space<hbm>>
      %dma_start3A_288 = arith.constant 0 : i32
      %dma_start3A_289 = tpu.memref_slice %arg5[%multiple_of3A_267, %dma_start3A_288] : memref<301056x128xf32, #tpu.memory_space<hbm>> -> memref<96x128xf32, #tpu.memory_space<hbm>>
      %dma_start3A_290 = arith.constant 0 : i32
      %dma_start3A_291 = arith.constant 0 : i32
      %dma_start3A_292 = tpu.memref_slice %arg9[%dma_start3A_281, %dma_start3A_290, %dma_start3A_291] : memref<2x96x128xf32, #tpu.memory_space<vmem>> -> memref<1x96x128xf32, #tpu.memory_space<vmem>>
      %dma_start3A_293 = tpu.memref_squeeze %dma_start3A_292 : memref<1x96x128xf32, #tpu.memory_space<vmem>> -> memref<96x128xf32, #tpu.memory_space<vmem>>
      tpu.enqueue_dma source(%dma_start3A_293 : memref<96x128xf32, #tpu.memory_space<vmem>>) target(%dma_start3A_289 : memref<96x128xf32, #tpu.memory_space<hbm>>) target_semaphore(%arg12 : memref<!tpu.dma_semaphore, #tpu.memory_space<semaphore_mem>>)
      %lt3A_294 = arith.constant 48 : i32
      %lt3A_295 = arith.cmpi slt, %scan3A_186, %lt3A_294 : i32
      %convert_element_type3A_296 = arith.extui %lt3A_295 : i1 to i32
      %cond3A_297 = arith.constant 0 : i32
      %cond3A_298 = arith.cmpi ne, %convert_element_type3A_296, %cond3A_297 : i32
      scf.if %cond3A_298 {
        %add3A_415 = arith.constant 2 : i32
        %add3A_416 = arith.addi %add3A_190, %add3A_415 : i32
        %mul3A_417 = arith.constant 128 : i32
        %mul3A_418 = arith.muli %add3A_416, %mul3A_417 : i32
        %add3A_419 = arith.addi %mul3A_32, %mul3A_418 : i32
        %multiple_of3A_420 = tpu.assume_multiple %add3A_419, 8 : i32
        %dma_start3A_421 = arith.constant 0 : i32
        %dma_start3A_422 = arith.constant 0 : i32
        %dma_start3A_423 = arith.constant 0 : i32
        %dma_start3A_424 = tpu.memref_slice %arg6[%dma_start3A_421, %dma_start3A_422, %dma_start3A_423] : memref<2x128x96xf32, #tpu.memory_space<vmem>> -> memref<1x128x96xf32, #tpu.memory_space<vmem>>
        %dma_start3A_425 = tpu.memref_squeeze %dma_start3A_424 : memref<1x128x96xf32, #tpu.memory_space<vmem>> -> memref<128x96xf32, #tpu.memory_space<vmem>>
        %dma_start3A_426 = arith.constant 0 : i32
        %dma_start3A_427 = tpu.memref_slice %arg2[%select_n3A, %multiple_of3A_420, %dma_start3A_426] : memref<8x50176x96xf32, #tpu.memory_space<hbm>> -> memref<1x128x96xf32, #tpu.memory_space<hbm>>
        %dma_start3A_428 = tpu.memref_squeeze %dma_start3A_427 : memref<1x128x96xf32, #tpu.memory_space<hbm>> -> memref<128x96xf32, #tpu.memory_space<hbm>>
        %dma_start3A_429 = arith.constant 0 : i32
        %dma_start3A_430 = arith.constant 0 : i32
        %dma_start3A_431 = tpu.memref_slice %arg6[%dma_start3A_421, %dma_start3A_429, %dma_start3A_430] : memref<2x128x96xf32, #tpu.memory_space<vmem>> -> memref<1x128x96xf32, #tpu.memory_space<vmem>>
        %dma_start3A_432 = tpu.memref_squeeze %dma_start3A_431 : memref<1x128x96xf32, #tpu.memory_space<vmem>> -> memref<128x96xf32, #tpu.memory_space<vmem>>
        %dma_start3A_433 = arith.constant 0 : i32
        %dma_start3A_434 = tpu.memref_slice %arg2[%select_n3A, %multiple_of3A_420, %dma_start3A_433] : memref<8x50176x96xf32, #tpu.memory_space<hbm>> -> memref<1x128x96xf32, #tpu.memory_space<hbm>>
        %dma_start3A_435 = tpu.memref_squeeze %dma_start3A_434 : memref<1x128x96xf32, #tpu.memory_space<hbm>> -> memref<128x96xf32, #tpu.memory_space<hbm>>
        tpu.enqueue_dma source(%dma_start3A_435 : memref<128x96xf32, #tpu.memory_space<hbm>>) target(%dma_start3A_432 : memref<128x96xf32, #tpu.memory_space<vmem>>) target_semaphore(%arg10 : memref<!tpu.dma_semaphore, #tpu.memory_space<semaphore_mem>>)
        %dma_start3A_436 = arith.constant 0 : i32
        %dma_start3A_437 = arith.constant 0 : i32
        %dma_start3A_438 = arith.constant 0 : i32
        %dma_start3A_439 = tpu.memref_slice %arg7[%dma_start3A_436, %dma_start3A_437, %dma_start3A_438] : memref<2x128x96xf32, #tpu.memory_space<vmem>> -> memref<1x128x96xf32, #tpu.memory_space<vmem>>
        %dma_start3A_440 = tpu.memref_squeeze %dma_start3A_439 : memref<1x128x96xf32, #tpu.memory_space<vmem>> -> memref<128x96xf32, #tpu.memory_space<vmem>>
        %dma_start3A_441 = arith.constant 0 : i32
        %dma_start3A_442 = tpu.memref_slice %arg3[%select_n3A, %multiple_of3A_420, %dma_start3A_441] : memref<8x50176x96xf32, #tpu.memory_space<hbm>> -> memref<1x128x96xf32, #tpu.memory_space<hbm>>
        %dma_start3A_443 = tpu.memref_squeeze %dma_start3A_442 : memref<1x128x96xf32, #tpu.memory_space<hbm>> -> memref<128x96xf32, #tpu.memory_space<hbm>>
        %dma_start3A_444 = arith.constant 0 : i32
        %dma_start3A_445 = arith.constant 0 : i32
        %dma_start3A_446 = tpu.memref_slice %arg7[%dma_start3A_436, %dma_start3A_444, %dma_start3A_445] : memref<2x128x96xf32, #tpu.memory_space<vmem>> -> memref<1x128x96xf32, #tpu.memory_space<vmem>>
        %dma_start3A_447 = tpu.memref_squeeze %dma_start3A_446 : memref<1x128x96xf32, #tpu.memory_space<vmem>> -> memref<128x96xf32, #tpu.memory_space<vmem>>
        %dma_start3A_448 = arith.constant 0 : i32
        %dma_start3A_449 = tpu.memref_slice %arg3[%select_n3A, %multiple_of3A_420, %dma_start3A_448] : memref<8x50176x96xf32, #tpu.memory_space<hbm>> -> memref<1x128x96xf32, #tpu.memory_space<hbm>>
        %dma_start3A_450 = tpu.memref_squeeze %dma_start3A_449 : memref<1x128x96xf32, #tpu.memory_space<hbm>> -> memref<128x96xf32, #tpu.memory_space<hbm>>
        tpu.enqueue_dma source(%dma_start3A_450 : memref<128x96xf32, #tpu.memory_space<hbm>>) target(%dma_start3A_447 : memref<128x96xf32, #tpu.memory_space<vmem>>) target_semaphore(%arg10 : memref<!tpu.dma_semaphore, #tpu.memory_space<semaphore_mem>>)
      } else {
      }
      %mul3A_299 = arith.constant 2 : i32
      %mul3A_300 = arith.muli %mul3A_299, %scan3A_186 : i32
      %add3A_301 = arith.constant 1 : i32
      %add3A_302 = arith.addi %mul3A_300, %add3A_301 : i32
      %dma_wait3A_303 = arith.constant 0 : i32
      %dma_wait3A_304 = arith.constant 1 : i32
      %dma_wait3A_305 = arith.constant 0 : i32
      %dma_wait3A_306 = arith.constant 0 : i32
      %dma_wait3A_307 = tpu.memref_slice %arg6[%dma_wait3A_304, %dma_wait3A_305, %dma_wait3A_306] : memref<2x128x96xf32, #tpu.memory_space<vmem>> -> memref<1x128x96xf32, #tpu.memory_space<vmem>>
      %dma_wait3A_308 = tpu.memref_squeeze %dma_wait3A_307 : memref<1x128x96xf32, #tpu.memory_space<vmem>> -> memref<128x96xf32, #tpu.memory_space<vmem>>
      %dma_wait3A_309 = arith.constant 0 : i32
      %dma_wait3A_310 = arith.constant 0 : i32
      %dma_wait3A_311 = tpu.memref_slice %arg2[%dma_wait3A_303, %dma_wait3A_309, %dma_wait3A_310] : memref<8x50176x96xf32, #tpu.memory_space<hbm>> -> memref<1x128x96xf32, #tpu.memory_space<hbm>>
      %dma_wait3A_312 = tpu.memref_squeeze %dma_wait3A_311 : memref<1x128x96xf32, #tpu.memory_space<hbm>> -> memref<128x96xf32, #tpu.memory_space<hbm>>
      %dma_wait3A_313 = arith.constant 0 : i32
      %dma_wait3A_314 = arith.constant 0 : i32
      %dma_wait3A_315 = tpu.memref_slice %arg6[%dma_wait3A_304, %dma_wait3A_313, %dma_wait3A_314] : memref<2x128x96xf32, #tpu.memory_space<vmem>> -> memref<1x128x96xf32, #tpu.memory_space<vmem>>
      %dma_wait3A_316 = tpu.memref_squeeze %dma_wait3A_315 : memref<1x128x96xf32, #tpu.memory_space<vmem>> -> memref<128x96xf32, #tpu.memory_space<vmem>>
      %dma_wait3A_317 = arith.constant 0 : i32
      %dma_wait3A_318 = arith.constant 0 : i32
      %dma_wait3A_319 = tpu.memref_slice %arg2[%dma_wait3A_303, %dma_wait3A_317, %dma_wait3A_318] : memref<8x50176x96xf32, #tpu.memory_space<hbm>> -> memref<1x128x96xf32, #tpu.memory_space<hbm>>
      %dma_wait3A_320 = tpu.memref_squeeze %dma_wait3A_319 : memref<1x128x96xf32, #tpu.memory_space<hbm>> -> memref<128x96xf32, #tpu.memory_space<hbm>>
      tpu.wait_dma2 semaphore(%arg11 : memref<!tpu.dma_semaphore, #tpu.memory_space<semaphore_mem>>) src(%dma_wait3A_320 : memref<128x96xf32, #tpu.memory_space<hbm>>) dst(%dma_wait3A_316 : memref<128x96xf32, #tpu.memory_space<vmem>>)
      %dma_wait3A_321 = arith.constant 0 : i32
      %dma_wait3A_322 = arith.constant 1 : i32
      %dma_wait3A_323 = arith.constant 0 : i32
      %dma_wait3A_324 = arith.constant 0 : i32
      %dma_wait3A_325 = tpu.memref_slice %arg7[%dma_wait3A_322, %dma_wait3A_323, %dma_wait3A_324] : memref<2x128x96xf32, #tpu.memory_space<vmem>> -> memref<1x128x96xf32, #tpu.memory_space<vmem>>
      %dma_wait3A_326 = tpu.memref_squeeze %dma_wait3A_325 : memref<1x128x96xf32, #tpu.memory_space<vmem>> -> memref<128x96xf32, #tpu.memory_space<vmem>>
      %dma_wait3A_327 = arith.constant 0 : i32
      %dma_wait3A_328 = arith.constant 0 : i32
      %dma_wait3A_329 = tpu.memref_slice %arg3[%dma_wait3A_321, %dma_wait3A_327, %dma_wait3A_328] : memref<8x50176x96xf32, #tpu.memory_space<hbm>> -> memref<1x128x96xf32, #tpu.memory_space<hbm>>
      %dma_wait3A_330 = tpu.memref_squeeze %dma_wait3A_329 : memref<1x128x96xf32, #tpu.memory_space<hbm>> -> memref<128x96xf32, #tpu.memory_space<hbm>>
      %dma_wait3A_331 = arith.constant 0 : i32
      %dma_wait3A_332 = arith.constant 0 : i32
      %dma_wait3A_333 = tpu.memref_slice %arg7[%dma_wait3A_322, %dma_wait3A_331, %dma_wait3A_332] : memref<2x128x96xf32, #tpu.memory_space<vmem>> -> memref<1x128x96xf32, #tpu.memory_space<vmem>>
      %dma_wait3A_334 = tpu.memref_squeeze %dma_wait3A_333 : memref<1x128x96xf32, #tpu.memory_space<vmem>> -> memref<128x96xf32, #tpu.memory_space<vmem>>
      %dma_wait3A_335 = arith.constant 0 : i32
      %dma_wait3A_336 = arith.constant 0 : i32
      %dma_wait3A_337 = tpu.memref_slice %arg3[%dma_wait3A_321, %dma_wait3A_335, %dma_wait3A_336] : memref<8x50176x96xf32, #tpu.memory_space<hbm>> -> memref<1x128x96xf32, #tpu.memory_space<hbm>>
      %dma_wait3A_338 = tpu.memref_squeeze %dma_wait3A_337 : memref<1x128x96xf32, #tpu.memory_space<hbm>> -> memref<128x96xf32, #tpu.memory_space<hbm>>
      tpu.wait_dma2 semaphore(%arg11 : memref<!tpu.dma_semaphore, #tpu.memory_space<semaphore_mem>>) src(%dma_wait3A_338 : memref<128x96xf32, #tpu.memory_space<hbm>>) dst(%dma_wait3A_334 : memref<128x96xf32, #tpu.memory_space<vmem>>)
      %gt3A_339 = arith.constant 0 : i32
      %gt3A_340 = arith.cmpi sgt, %scan3A_186, %gt3A_339 : i32
      %convert_element_type3A_341 = arith.extui %gt3A_340 : i1 to i32
      %cond3A_342 = arith.constant 0 : i32
      %cond3A_343 = arith.cmpi ne, %convert_element_type3A_341, %cond3A_342 : i32
      scf.if %cond3A_343 {
        %dma_wait3A_415 = arith.constant 1 : i32
        %dma_wait3A_416 = arith.constant 0 : i32
        %dma_wait3A_417 = arith.constant 0 : i32
        %dma_wait3A_418 = tpu.memref_slice %arg8[%dma_wait3A_415, %dma_wait3A_416, %dma_wait3A_417] : memref<2x96x128xf32, #tpu.memory_space<vmem>> -> memref<1x96x128xf32, #tpu.memory_space<vmem>>
        %dma_wait3A_419 = tpu.memref_squeeze %dma_wait3A_418 : memref<1x96x128xf32, #tpu.memory_space<vmem>> -> memref<96x128xf32, #tpu.memory_space<vmem>>
        %dma_wait3A_420 = arith.constant 0 : i32
        %dma_wait3A_421 = arith.constant 0 : i32
        %dma_wait3A_422 = tpu.memref_slice %arg4[%dma_wait3A_420, %dma_wait3A_421] : memref<301056x128xf32, #tpu.memory_space<hbm>> -> memref<96x128xf32, #tpu.memory_space<hbm>>
        %dma_wait3A_423 = arith.constant 0 : i32
        %dma_wait3A_424 = arith.constant 0 : i32
        %dma_wait3A_425 = tpu.memref_slice %arg4[%dma_wait3A_423, %dma_wait3A_424] : memref<301056x128xf32, #tpu.memory_space<hbm>> -> memref<96x128xf32, #tpu.memory_space<hbm>>
        %dma_wait3A_426 = arith.constant 0 : i32
        %dma_wait3A_427 = arith.constant 0 : i32
        %dma_wait3A_428 = tpu.memref_slice %arg8[%dma_wait3A_415, %dma_wait3A_426, %dma_wait3A_427] : memref<2x96x128xf32, #tpu.memory_space<vmem>> -> memref<1x96x128xf32, #tpu.memory_space<vmem>>
        %dma_wait3A_429 = tpu.memref_squeeze %dma_wait3A_428 : memref<1x96x128xf32, #tpu.memory_space<vmem>> -> memref<96x128xf32, #tpu.memory_space<vmem>>
        tpu.wait_dma2 semaphore(%arg13 : memref<!tpu.dma_semaphore, #tpu.memory_space<semaphore_mem>>) src(%dma_wait3A_429 : memref<96x128xf32, #tpu.memory_space<vmem>>) dst(%dma_wait3A_425 : memref<96x128xf32, #tpu.memory_space<hbm>>)
        %dma_wait3A_430 = arith.constant 1 : i32
        %dma_wait3A_431 = arith.constant 0 : i32
        %dma_wait3A_432 = arith.constant 0 : i32
        %dma_wait3A_433 = tpu.memref_slice %arg9[%dma_wait3A_430, %dma_wait3A_431, %dma_wait3A_432] : memref<2x96x128xf32, #tpu.memory_space<vmem>> -> memref<1x96x128xf32, #tpu.memory_space<vmem>>
        %dma_wait3A_434 = tpu.memref_squeeze %dma_wait3A_433 : memref<1x96x128xf32, #tpu.memory_space<vmem>> -> memref<96x128xf32, #tpu.memory_space<vmem>>
        %dma_wait3A_435 = arith.constant 0 : i32
        %dma_wait3A_436 = arith.constant 0 : i32
        %dma_wait3A_437 = tpu.memref_slice %arg5[%dma_wait3A_435, %dma_wait3A_436] : memref<301056x128xf32, #tpu.memory_space<hbm>> -> memref<96x128xf32, #tpu.memory_space<hbm>>
        %dma_wait3A_438 = arith.constant 0 : i32
        %dma_wait3A_439 = arith.constant 0 : i32
        %dma_wait3A_440 = tpu.memref_slice %arg5[%dma_wait3A_438, %dma_wait3A_439] : memref<301056x128xf32, #tpu.memory_space<hbm>> -> memref<96x128xf32, #tpu.memory_space<hbm>>
        %dma_wait3A_441 = arith.constant 0 : i32
        %dma_wait3A_442 = arith.constant 0 : i32
        %dma_wait3A_443 = tpu.memref_slice %arg9[%dma_wait3A_430, %dma_wait3A_441, %dma_wait3A_442] : memref<2x96x128xf32, #tpu.memory_space<vmem>> -> memref<1x96x128xf32, #tpu.memory_space<vmem>>
        %dma_wait3A_444 = tpu.memref_squeeze %dma_wait3A_443 : memref<1x96x128xf32, #tpu.memory_space<vmem>> -> memref<96x128xf32, #tpu.memory_space<vmem>>
        tpu.wait_dma2 semaphore(%arg13 : memref<!tpu.dma_semaphore, #tpu.memory_space<semaphore_mem>>) src(%dma_wait3A_444 : memref<96x128xf32, #tpu.memory_space<vmem>>) dst(%dma_wait3A_440 : memref<96x128xf32, #tpu.memory_space<hbm>>)
      } else {
      }
      %parallel_loop3A_344 = arith.constant 0 : i32
      %parallel_loop3A_345 = arith.constant 128 : i32
      %parallel_loop3A_346 = arith.constant 1 : i32
      %parallel_loop3A_347 = arith.constant 1 : i32
      %parallel_loop3A_348 = arith.constant 1 : i32
      %parallel_loop3A_349 = arith.constant 1 : i32
      %parallel_loop3A_350 = arith.constant 1 : i32
      scf.for %parallel_loop3A_415 = %parallel_loop3A_344 to %parallel_loop3A_345 step %parallel_loop3A_346  : i32 {
        %parallel_loop3A_416 = arith.constant 0 : i32
        %parallel_loop3A_417 = arith.constant 0 : i32
        %parallel_loop3A_418 = tpu.memref_slice %arg6[%parallel_loop3A_347, %parallel_loop3A_416, %parallel_loop3A_417] : memref<2x128x96xf32, #tpu.memory_space<vmem>> -> memref<1x128x96xf32, #tpu.memory_space<vmem>>
        %parallel_loop3A_419 = tpu.memref_squeeze %parallel_loop3A_418 : memref<1x128x96xf32, #tpu.memory_space<vmem>> -> memref<128x96xf32, #tpu.memory_space<vmem>>
        %parallel_loop3A_420 = arith.index_cast %parallel_loop3A_415 : i32 to index
        %parallel_loop3A_421 = arith.constant 0 : index
        %parallel_loop3A_422 = tpu.vector_load %parallel_loop3A_419[%parallel_loop3A_420, %parallel_loop3A_421] {strides = array<i32>} : memref<128x96xf32, #tpu.memory_space<vmem>>, vector<1x16xf32>,
        %parallel_loop3A_423 = vector.shape_cast %parallel_loop3A_422 : vector<1x16xf32> to vector<16xf32>
        %parallel_loop3A_424 = arith.constant 0 : i32
        %parallel_loop3A_425 = arith.constant 0 : i32
        %parallel_loop3A_426 = tpu.memref_slice %arg7[%parallel_loop3A_348, %parallel_loop3A_424, %parallel_loop3A_425] : memref<2x128x96xf32, #tpu.memory_space<vmem>> -> memref<1x128x96xf32, #tpu.memory_space<vmem>>
        %parallel_loop3A_427 = tpu.memref_squeeze %parallel_loop3A_426 : memref<1x128x96xf32, #tpu.memory_space<vmem>> -> memref<128x96xf32, #tpu.memory_space<vmem>>
        %parallel_loop3A_428 = arith.index_cast %parallel_loop3A_415 : i32 to index
        %parallel_loop3A_429 = arith.constant 0 : index
        %parallel_loop3A_430 = tpu.vector_load %parallel_loop3A_427[%parallel_loop3A_428, %parallel_loop3A_429] {strides = array<i32>} : memref<128x96xf32, #tpu.memory_space<vmem>>, vector<1x16xf32>,
        %parallel_loop3A_431 = vector.shape_cast %parallel_loop3A_430 : vector<1x16xf32> to vector<16xf32>
        %parallel_loop3A_432 = arith.constant 96 : i32
        %parallel_loop3A_433 = arith.muli %parallel_loop3A_415, %parallel_loop3A_432 : i32
        %parallel_loop3A_434 = arith.constant 0 : i32
        %parallel_loop3A_435 = arith.addi %parallel_loop3A_433, %parallel_loop3A_434 : i32
        %parallel_loop3A_436 = arith.constant 128 : i32
        %parallel_loop3A_437 = arith.divsi %parallel_loop3A_435, %parallel_loop3A_436 : i32
        %parallel_loop3A_438 = arith.constant 0 : i32
        %parallel_loop3A_439 = arith.cmpi sgt, %parallel_loop3A_435, %parallel_loop3A_438 : i32
        %parallel_loop3A_440 = arith.extui %parallel_loop3A_439 : i1 to i32
        %parallel_loop3A_441 = arith.constant 0 : i32
        %parallel_loop3A_442 = arith.cmpi slt, %parallel_loop3A_435, %parallel_loop3A_441 : i32
        %parallel_loop3A_443 = arith.extui %parallel_loop3A_442 : i1 to i32
        %parallel_loop3A_444 = arith.subi %parallel_loop3A_440, %parallel_loop3A_443 : i32
        %parallel_loop3A_445 = arith.constant 0 : i32
        %parallel_loop3A_446 = arith.cmpi sgt, %parallel_loop3A_436, %parallel_loop3A_445 : i32
        %parallel_loop3A_447 = arith.extui %parallel_loop3A_446 : i1 to i32
        %parallel_loop3A_448 = arith.constant 0 : i32
        %parallel_loop3A_449 = arith.cmpi slt, %parallel_loop3A_436, %parallel_loop3A_448 : i32
        %parallel_loop3A_450 = arith.extui %parallel_loop3A_449 : i1 to i32
        %parallel_loop3A_451 = arith.subi %parallel_loop3A_447, %parallel_loop3A_450 : i32
        %parallel_loop3A_452 = arith.cmpi ne, %parallel_loop3A_444, %parallel_loop3A_451 : i32
        %parallel_loop3A_453 = arith.remsi %parallel_loop3A_435, %parallel_loop3A_436 : i32
        %parallel_loop3A_454 = arith.constant 0 : i32
        %parallel_loop3A_455 = arith.cmpi ne, %parallel_loop3A_453, %parallel_loop3A_454 : i32
        %parallel_loop3A_456 = arith.andi %parallel_loop3A_452, %parallel_loop3A_455 : i1
        %parallel_loop3A_457 = arith.constant 1 : i32
        %parallel_loop3A_458 = arith.subi %parallel_loop3A_437, %parallel_loop3A_457 : i32
        %parallel_loop3A_459 = arith.select %parallel_loop3A_456, %parallel_loop3A_458, %parallel_loop3A_437 : i32
        %parallel_loop3A_460 = arith.constant 128 : i32
        %parallel_loop3A_461 = arith.constant 0 : i32
        %parallel_loop3A_462 = arith.cmpi eq, %parallel_loop3A_460, %parallel_loop3A_461 : i32
        %parallel_loop3A_463 = arith.constant 1 : i32
        %parallel_loop3A_464 = arith.select %parallel_loop3A_462, %parallel_loop3A_463, %parallel_loop3A_460 : i32
        %parallel_loop3A_465 = arith.remsi %parallel_loop3A_435, %parallel_loop3A_464 : i32
        %parallel_loop3A_466 = arith.constant 0 : i32
        %parallel_loop3A_467 = arith.cmpi ne, %parallel_loop3A_465, %parallel_loop3A_466 : i32
        %parallel_loop3A_468 = arith.constant 0 : i32
        %parallel_loop3A_469 = arith.cmpi slt, %parallel_loop3A_465, %parallel_loop3A_468 : i32
        %parallel_loop3A_470 = arith.constant 0 : i32
        %parallel_loop3A_471 = arith.cmpi slt, %parallel_loop3A_464, %parallel_loop3A_470 : i32
        %parallel_loop3A_472 = arith.xori %parallel_loop3A_469, %parallel_loop3A_471 : i1
        %parallel_loop3A_473 = arith.andi %parallel_loop3A_472, %parallel_loop3A_467 : i1
        %parallel_loop3A_474 = arith.addi %parallel_loop3A_465, %parallel_loop3A_464 : i32
        %parallel_loop3A_475 = arith.select %parallel_loop3A_473, %parallel_loop3A_474, %parallel_loop3A_465 : i32
        %parallel_loop3A_476 = arith.select %eq3A_57, %parallel_loop3A_431, %parallel_loop3A_423 : vector<16xi1>, vector<16xf32>
        %parallel_loop3A_477 = arith.constant 0 : i32
        %parallel_loop3A_478 = arith.constant 0 : i32
        %parallel_loop3A_479 = tpu.memref_slice %arg8[%parallel_loop3A_349, %parallel_loop3A_477, %parallel_loop3A_478] : memref<2x96x128xf32, #tpu.memory_space<vmem>> -> memref<1x96x128xf32, #tpu.memory_space<vmem>>
        %parallel_loop3A_480 = tpu.memref_squeeze %parallel_loop3A_479 : memref<1x96x128xf32, #tpu.memory_space<vmem>> -> memref<96x128xf32, #tpu.memory_space<vmem>>
        %parallel_loop3A_481 = arith.index_cast %parallel_loop3A_459 : i32 to index
        %parallel_loop3A_482 = arith.index_cast %parallel_loop3A_475 : i32 to index
        %parallel_loop3A_483 = tpu.vector_load %parallel_loop3A_480[%parallel_loop3A_481, %parallel_loop3A_482] {strides = array<i32>} : memref<96x128xf32, #tpu.memory_space<vmem>>, vector<1x16xf32>,
        %parallel_loop3A_484 = vector.shape_cast %parallel_loop3A_483 : vector<1x16xf32> to vector<16xf32>
        %parallel_loop3A_485 = vector.shape_cast %parallel_loop3A_476 : vector<16xf32> to vector<1x16xf32>
        tpu.vector_store %parallel_loop3A_480[%parallel_loop3A_481, %parallel_loop3A_482], %parallel_loop3A_485 {strides = array<i32>} : memref<96x128xf32, #tpu.memory_space<vmem>>, vector<1x16xf32>,
        %parallel_loop3A_486 = arith.select %eq3A_57, %parallel_loop3A_423, %parallel_loop3A_431 : vector<16xi1>, vector<16xf32>
        %parallel_loop3A_487 = arith.constant 0 : i32
        %parallel_loop3A_488 = arith.constant 0 : i32
        %parallel_loop3A_489 = tpu.memref_slice %arg9[%parallel_loop3A_350, %parallel_loop3A_487, %parallel_loop3A_488] : memref<2x96x128xf32, #tpu.memory_space<vmem>> -> memref<1x96x128xf32, #tpu.memory_space<vmem>>
        %parallel_loop3A_490 = tpu.memref_squeeze %parallel_loop3A_489 : memref<1x96x128xf32, #tpu.memory_space<vmem>> -> memref<96x128xf32, #tpu.memory_space<vmem>>
        %parallel_loop3A_491 = arith.index_cast %parallel_loop3A_459 : i32 to index
        %parallel_loop3A_492 = arith.index_cast %parallel_loop3A_475 : i32 to index
        %parallel_loop3A_493 = tpu.vector_load %parallel_loop3A_490[%parallel_loop3A_491, %parallel_loop3A_492] {strides = array<i32>} : memref<96x128xf32, #tpu.memory_space<vmem>>, vector<1x16xf32>,
        %parallel_loop3A_494 = vector.shape_cast %parallel_loop3A_493 : vector<1x16xf32> to vector<16xf32>
        %parallel_loop3A_495 = vector.shape_cast %parallel_loop3A_486 : vector<16xf32> to vector<1x16xf32>
        tpu.vector_store %parallel_loop3A_490[%parallel_loop3A_491, %parallel_loop3A_492], %parallel_loop3A_495 {strides = array<i32>} : memref<96x128xf32, #tpu.memory_space<vmem>>, vector<1x16xf32>,
        %parallel_loop3A_496 = arith.constant 0 : i32
        %parallel_loop3A_497 = arith.constant 0 : i32
        %parallel_loop3A_498 = tpu.memref_slice %arg6[%parallel_loop3A_347, %parallel_loop3A_496, %parallel_loop3A_497] : memref<2x128x96xf32, #tpu.memory_space<vmem>> -> memref<1x128x96xf32, #tpu.memory_space<vmem>>
        %parallel_loop3A_499 = tpu.memref_squeeze %parallel_loop3A_498 : memref<1x128x96xf32, #tpu.memory_space<vmem>> -> memref<128x96xf32, #tpu.memory_space<vmem>>
        %parallel_loop3A_500 = arith.index_cast %parallel_loop3A_415 : i32 to index
        %parallel_loop3A_501 = arith.constant 16 : index
        %parallel_loop3A_502 = tpu.vector_load %parallel_loop3A_499[%parallel_loop3A_500, %parallel_loop3A_501] {strides = array<i32>} : memref<128x96xf32, #tpu.memory_space<vmem>>, vector<1x16xf32>,
        %parallel_loop3A_503 = vector.shape_cast %parallel_loop3A_502 : vector<1x16xf32> to vector<16xf32>
        %parallel_loop3A_504 = arith.constant 0 : i32
        %parallel_loop3A_505 = arith.constant 0 : i32
        %parallel_loop3A_506 = tpu.memref_slice %arg7[%parallel_loop3A_348, %parallel_loop3A_504, %parallel_loop3A_505] : memref<2x128x96xf32, #tpu.memory_space<vmem>> -> memref<1x128x96xf32, #tpu.memory_space<vmem>>
        %parallel_loop3A_507 = tpu.memref_squeeze %parallel_loop3A_506 : memref<1x128x96xf32, #tpu.memory_space<vmem>> -> memref<128x96xf32, #tpu.memory_space<vmem>>
        %parallel_loop3A_508 = arith.index_cast %parallel_loop3A_415 : i32 to index
        %parallel_loop3A_509 = arith.constant 16 : index
        %parallel_loop3A_510 = tpu.vector_load %parallel_loop3A_507[%parallel_loop3A_508, %parallel_loop3A_509] {strides = array<i32>} : memref<128x96xf32, #tpu.memory_space<vmem>>, vector<1x16xf32>,
        %parallel_loop3A_511 = vector.shape_cast %parallel_loop3A_510 : vector<1x16xf32> to vector<16xf32>
        %parallel_loop3A_512 = arith.constant 96 : i32
        %parallel_loop3A_513 = arith.muli %parallel_loop3A_415, %parallel_loop3A_512 : i32
        %parallel_loop3A_514 = arith.constant 16 : i32
        %parallel_loop3A_515 = arith.addi %parallel_loop3A_513, %parallel_loop3A_514 : i32
        %parallel_loop3A_516 = arith.constant 128 : i32
        %parallel_loop3A_517 = arith.divsi %parallel_loop3A_515, %parallel_loop3A_516 : i32
        %parallel_loop3A_518 = arith.constant 0 : i32
        %parallel_loop3A_519 = arith.cmpi sgt, %parallel_loop3A_515, %parallel_loop3A_518 : i32
        %parallel_loop3A_520 = arith.extui %parallel_loop3A_519 : i1 to i32
        %parallel_loop3A_521 = arith.constant 0 : i32
        %parallel_loop3A_522 = arith.cmpi slt, %parallel_loop3A_515, %parallel_loop3A_521 : i32
        %parallel_loop3A_523 = arith.extui %parallel_loop3A_522 : i1 to i32
        %parallel_loop3A_524 = arith.subi %parallel_loop3A_520, %parallel_loop3A_523 : i32
        %parallel_loop3A_525 = arith.constant 0 : i32
        %parallel_loop3A_526 = arith.cmpi sgt, %parallel_loop3A_516, %parallel_loop3A_525 : i32
        %parallel_loop3A_527 = arith.extui %parallel_loop3A_526 : i1 to i32
        %parallel_loop3A_528 = arith.constant 0 : i32
        %parallel_loop3A_529 = arith.cmpi slt, %parallel_loop3A_516, %parallel_loop3A_528 : i32
        %parallel_loop3A_530 = arith.extui %parallel_loop3A_529 : i1 to i32
        %parallel_loop3A_531 = arith.subi %parallel_loop3A_527, %parallel_loop3A_530 : i32
        %parallel_loop3A_532 = arith.cmpi ne, %parallel_loop3A_524, %parallel_loop3A_531 : i32
        %parallel_loop3A_533 = arith.remsi %parallel_loop3A_515, %parallel_loop3A_516 : i32
        %parallel_loop3A_534 = arith.constant 0 : i32
        %parallel_loop3A_535 = arith.cmpi ne, %parallel_loop3A_533, %parallel_loop3A_534 : i32
        %parallel_loop3A_536 = arith.andi %parallel_loop3A_532, %parallel_loop3A_535 : i1
        %parallel_loop3A_537 = arith.constant 1 : i32
        %parallel_loop3A_538 = arith.subi %parallel_loop3A_517, %parallel_loop3A_537 : i32
        %parallel_loop3A_539 = arith.select %parallel_loop3A_536, %parallel_loop3A_538, %parallel_loop3A_517 : i32
        %parallel_loop3A_540 = arith.constant 128 : i32
        %parallel_loop3A_541 = arith.constant 0 : i32
        %parallel_loop3A_542 = arith.cmpi eq, %parallel_loop3A_540, %parallel_loop3A_541 : i32
        %parallel_loop3A_543 = arith.constant 1 : i32
        %parallel_loop3A_544 = arith.select %parallel_loop3A_542, %parallel_loop3A_543, %parallel_loop3A_540 : i32
        %parallel_loop3A_545 = arith.remsi %parallel_loop3A_515, %parallel_loop3A_544 : i32
        %parallel_loop3A_546 = arith.constant 0 : i32
        %parallel_loop3A_547 = arith.cmpi ne, %parallel_loop3A_545, %parallel_loop3A_546 : i32
        %parallel_loop3A_548 = arith.constant 0 : i32
        %parallel_loop3A_549 = arith.cmpi slt, %parallel_loop3A_545, %parallel_loop3A_548 : i32
        %parallel_loop3A_550 = arith.constant 0 : i32
        %parallel_loop3A_551 = arith.cmpi slt, %parallel_loop3A_544, %parallel_loop3A_550 : i32
        %parallel_loop3A_552 = arith.xori %parallel_loop3A_549, %parallel_loop3A_551 : i1
        %parallel_loop3A_553 = arith.andi %parallel_loop3A_552, %parallel_loop3A_547 : i1
        %parallel_loop3A_554 = arith.addi %parallel_loop3A_545, %parallel_loop3A_544 : i32
        %parallel_loop3A_555 = arith.select %parallel_loop3A_553, %parallel_loop3A_554, %parallel_loop3A_545 : i32
        %parallel_loop3A_556 = arith.select %eq3A_57, %parallel_loop3A_511, %parallel_loop3A_503 : vector<16xi1>, vector<16xf32>
        %parallel_loop3A_557 = arith.constant 0 : i32
        %parallel_loop3A_558 = arith.constant 0 : i32
        %parallel_loop3A_559 = tpu.memref_slice %arg8[%parallel_loop3A_349, %parallel_loop3A_557, %parallel_loop3A_558] : memref<2x96x128xf32, #tpu.memory_space<vmem>> -> memref<1x96x128xf32, #tpu.memory_space<vmem>>
        %parallel_loop3A_560 = tpu.memref_squeeze %parallel_loop3A_559 : memref<1x96x128xf32, #tpu.memory_space<vmem>> -> memref<96x128xf32, #tpu.memory_space<vmem>>
        %parallel_loop3A_561 = arith.index_cast %parallel_loop3A_539 : i32 to index
        %parallel_loop3A_562 = arith.index_cast %parallel_loop3A_555 : i32 to index
        %parallel_loop3A_563 = tpu.vector_load %parallel_loop3A_560[%parallel_loop3A_561, %parallel_loop3A_562] {strides = array<i32>} : memref<96x128xf32, #tpu.memory_space<vmem>>, vector<1x16xf32>,
        %parallel_loop3A_564 = vector.shape_cast %parallel_loop3A_563 : vector<1x16xf32> to vector<16xf32>
        %parallel_loop3A_565 = vector.shape_cast %parallel_loop3A_556 : vector<16xf32> to vector<1x16xf32>
        tpu.vector_store %parallel_loop3A_560[%parallel_loop3A_561, %parallel_loop3A_562], %parallel_loop3A_565 {strides = array<i32>} : memref<96x128xf32, #tpu.memory_space<vmem>>, vector<1x16xf32>,
        %parallel_loop3A_566 = arith.select %eq3A_57, %parallel_loop3A_503, %parallel_loop3A_511 : vector<16xi1>, vector<16xf32>
        %parallel_loop3A_567 = arith.constant 0 : i32
        %parallel_loop3A_568 = arith.constant 0 : i32
        %parallel_loop3A_569 = tpu.memref_slice %arg9[%parallel_loop3A_350, %parallel_loop3A_567, %parallel_loop3A_568] : memref<2x96x128xf32, #tpu.memory_space<vmem>> -> memref<1x96x128xf32, #tpu.memory_space<vmem>>
        %parallel_loop3A_570 = tpu.memref_squeeze %parallel_loop3A_569 : memref<1x96x128xf32, #tpu.memory_space<vmem>> -> memref<96x128xf32, #tpu.memory_space<vmem>>
        %parallel_loop3A_571 = arith.index_cast %parallel_loop3A_539 : i32 to index
        %parallel_loop3A_572 = arith.index_cast %parallel_loop3A_555 : i32 to index
        %parallel_loop3A_573 = tpu.vector_load %parallel_loop3A_570[%parallel_loop3A_571, %parallel_loop3A_572] {strides = array<i32>} : memref<96x128xf32, #tpu.memory_space<vmem>>, vector<1x16xf32>,
        %parallel_loop3A_574 = vector.shape_cast %parallel_loop3A_573 : vector<1x16xf32> to vector<16xf32>
        %parallel_loop3A_575 = vector.shape_cast %parallel_loop3A_566 : vector<16xf32> to vector<1x16xf32>
        tpu.vector_store %parallel_loop3A_570[%parallel_loop3A_571, %parallel_loop3A_572], %parallel_loop3A_575 {strides = array<i32>} : memref<96x128xf32, #tpu.memory_space<vmem>>, vector<1x16xf32>,
        %parallel_loop3A_576 = arith.constant 0 : i32
        %parallel_loop3A_577 = arith.constant 0 : i32
        %parallel_loop3A_578 = tpu.memref_slice %arg6[%parallel_loop3A_347, %parallel_loop3A_576, %parallel_loop3A_577] : memref<2x128x96xf32, #tpu.memory_space<vmem>> -> memref<1x128x96xf32, #tpu.memory_space<vmem>>
        %parallel_loop3A_579 = tpu.memref_squeeze %parallel_loop3A_578 : memref<1x128x96xf32, #tpu.memory_space<vmem>> -> memref<128x96xf32, #tpu.memory_space<vmem>>
        %parallel_loop3A_580 = arith.index_cast %parallel_loop3A_415 : i32 to index
        %parallel_loop3A_581 = arith.constant 32 : index
        %parallel_loop3A_582 = tpu.vector_load %parallel_loop3A_579[%parallel_loop3A_580, %parallel_loop3A_581] {strides = array<i32>} : memref<128x96xf32, #tpu.memory_space<vmem>>, vector<1x16xf32>,
        %parallel_loop3A_583 = vector.shape_cast %parallel_loop3A_582 : vector<1x16xf32> to vector<16xf32>
        %parallel_loop3A_584 = arith.constant 0 : i32
        %parallel_loop3A_585 = arith.constant 0 : i32
        %parallel_loop3A_586 = tpu.memref_slice %arg7[%parallel_loop3A_348, %parallel_loop3A_584, %parallel_loop3A_585] : memref<2x128x96xf32, #tpu.memory_space<vmem>> -> memref<1x128x96xf32, #tpu.memory_space<vmem>>
        %parallel_loop3A_587 = tpu.memref_squeeze %parallel_loop3A_586 : memref<1x128x96xf32, #tpu.memory_space<vmem>> -> memref<128x96xf32, #tpu.memory_space<vmem>>
        %parallel_loop3A_588 = arith.index_cast %parallel_loop3A_415 : i32 to index
        %parallel_loop3A_589 = arith.constant 32 : index
        %parallel_loop3A_590 = tpu.vector_load %parallel_loop3A_587[%parallel_loop3A_588, %parallel_loop3A_589] {strides = array<i32>} : memref<128x96xf32, #tpu.memory_space<vmem>>, vector<1x16xf32>,
        %parallel_loop3A_591 = vector.shape_cast %parallel_loop3A_590 : vector<1x16xf32> to vector<16xf32>
        %parallel_loop3A_592 = arith.constant 96 : i32
        %parallel_loop3A_593 = arith.muli %parallel_loop3A_415, %parallel_loop3A_592 : i32
        %parallel_loop3A_594 = arith.constant 32 : i32
        %parallel_loop3A_595 = arith.addi %parallel_loop3A_593, %parallel_loop3A_594 : i32
        %parallel_loop3A_596 = arith.constant 128 : i32
        %parallel_loop3A_597 = arith.divsi %parallel_loop3A_595, %parallel_loop3A_596 : i32
        %parallel_loop3A_598 = arith.constant 0 : i32
        %parallel_loop3A_599 = arith.cmpi sgt, %parallel_loop3A_595, %parallel_loop3A_598 : i32
        %parallel_loop3A_600 = arith.extui %parallel_loop3A_599 : i1 to i32
        %parallel_loop3A_601 = arith.constant 0 : i32
        %parallel_loop3A_602 = arith.cmpi slt, %parallel_loop3A_595, %parallel_loop3A_601 : i32
        %parallel_loop3A_603 = arith.extui %parallel_loop3A_602 : i1 to i32
        %parallel_loop3A_604 = arith.subi %parallel_loop3A_600, %parallel_loop3A_603 : i32
        %parallel_loop3A_605 = arith.constant 0 : i32
        %parallel_loop3A_606 = arith.cmpi sgt, %parallel_loop3A_596, %parallel_loop3A_605 : i32
        %parallel_loop3A_607 = arith.extui %parallel_loop3A_606 : i1 to i32
        %parallel_loop3A_608 = arith.constant 0 : i32
        %parallel_loop3A_609 = arith.cmpi slt, %parallel_loop3A_596, %parallel_loop3A_608 : i32
        %parallel_loop3A_610 = arith.extui %parallel_loop3A_609 : i1 to i32
        %parallel_loop3A_611 = arith.subi %parallel_loop3A_607, %parallel_loop3A_610 : i32
        %parallel_loop3A_612 = arith.cmpi ne, %parallel_loop3A_604, %parallel_loop3A_611 : i32
        %parallel_loop3A_613 = arith.remsi %parallel_loop3A_595, %parallel_loop3A_596 : i32
        %parallel_loop3A_614 = arith.constant 0 : i32
        %parallel_loop3A_615 = arith.cmpi ne, %parallel_loop3A_613, %parallel_loop3A_614 : i32
        %parallel_loop3A_616 = arith.andi %parallel_loop3A_612, %parallel_loop3A_615 : i1
        %parallel_loop3A_617 = arith.constant 1 : i32
        %parallel_loop3A_618 = arith.subi %parallel_loop3A_597, %parallel_loop3A_617 : i32
        %parallel_loop3A_619 = arith.select %parallel_loop3A_616, %parallel_loop3A_618, %parallel_loop3A_597 : i32
        %parallel_loop3A_620 = arith.constant 128 : i32
        %parallel_loop3A_621 = arith.constant 0 : i32
        %parallel_loop3A_622 = arith.cmpi eq, %parallel_loop3A_620, %parallel_loop3A_621 : i32
        %parallel_loop3A_623 = arith.constant 1 : i32
        %parallel_loop3A_624 = arith.select %parallel_loop3A_622, %parallel_loop3A_623, %parallel_loop3A_620 : i32
        %parallel_loop3A_625 = arith.remsi %parallel_loop3A_595, %parallel_loop3A_624 : i32
        %parallel_loop3A_626 = arith.constant 0 : i32
        %parallel_loop3A_627 = arith.cmpi ne, %parallel_loop3A_625, %parallel_loop3A_626 : i32
        %parallel_loop3A_628 = arith.constant 0 : i32
        %parallel_loop3A_629 = arith.cmpi slt, %parallel_loop3A_625, %parallel_loop3A_628 : i32
        %parallel_loop3A_630 = arith.constant 0 : i32
        %parallel_loop3A_631 = arith.cmpi slt, %parallel_loop3A_624, %parallel_loop3A_630 : i32
        %parallel_loop3A_632 = arith.xori %parallel_loop3A_629, %parallel_loop3A_631 : i1
        %parallel_loop3A_633 = arith.andi %parallel_loop3A_632, %parallel_loop3A_627 : i1
        %parallel_loop3A_634 = arith.addi %parallel_loop3A_625, %parallel_loop3A_624 : i32
        %parallel_loop3A_635 = arith.select %parallel_loop3A_633, %parallel_loop3A_634, %parallel_loop3A_625 : i32
        %parallel_loop3A_636 = arith.select %eq3A_57, %parallel_loop3A_591, %parallel_loop3A_583 : vector<16xi1>, vector<16xf32>
        %parallel_loop3A_637 = arith.constant 0 : i32
        %parallel_loop3A_638 = arith.constant 0 : i32
        %parallel_loop3A_639 = tpu.memref_slice %arg8[%parallel_loop3A_349, %parallel_loop3A_637, %parallel_loop3A_638] : memref<2x96x128xf32, #tpu.memory_space<vmem>> -> memref<1x96x128xf32, #tpu.memory_space<vmem>>
        %parallel_loop3A_640 = tpu.memref_squeeze %parallel_loop3A_639 : memref<1x96x128xf32, #tpu.memory_space<vmem>> -> memref<96x128xf32, #tpu.memory_space<vmem>>
        %parallel_loop3A_641 = arith.index_cast %parallel_loop3A_619 : i32 to index
        %parallel_loop3A_642 = arith.index_cast %parallel_loop3A_635 : i32 to index
        %parallel_loop3A_643 = tpu.vector_load %parallel_loop3A_640[%parallel_loop3A_641, %parallel_loop3A_642] {strides = array<i32>} : memref<96x128xf32, #tpu.memory_space<vmem>>, vector<1x16xf32>,
        %parallel_loop3A_644 = vector.shape_cast %parallel_loop3A_643 : vector<1x16xf32> to vector<16xf32>
        %parallel_loop3A_645 = vector.shape_cast %parallel_loop3A_636 : vector<16xf32> to vector<1x16xf32>
        tpu.vector_store %parallel_loop3A_640[%parallel_loop3A_641, %parallel_loop3A_642], %parallel_loop3A_645 {strides = array<i32>} : memref<96x128xf32, #tpu.memory_space<vmem>>, vector<1x16xf32>,
        %parallel_loop3A_646 = arith.select %eq3A_57, %parallel_loop3A_583, %parallel_loop3A_591 : vector<16xi1>, vector<16xf32>
        %parallel_loop3A_647 = arith.constant 0 : i32
        %parallel_loop3A_648 = arith.constant 0 : i32
        %parallel_loop3A_649 = tpu.memref_slice %arg9[%parallel_loop3A_350, %parallel_loop3A_647, %parallel_loop3A_648] : memref<2x96x128xf32, #tpu.memory_space<vmem>> -> memref<1x96x128xf32, #tpu.memory_space<vmem>>
        %parallel_loop3A_650 = tpu.memref_squeeze %parallel_loop3A_649 : memref<1x96x128xf32, #tpu.memory_space<vmem>> -> memref<96x128xf32, #tpu.memory_space<vmem>>
        %parallel_loop3A_651 = arith.index_cast %parallel_loop3A_619 : i32 to index
        %parallel_loop3A_652 = arith.index_cast %parallel_loop3A_635 : i32 to index
        %parallel_loop3A_653 = tpu.vector_load %parallel_loop3A_650[%parallel_loop3A_651, %parallel_loop3A_652] {strides = array<i32>} : memref<96x128xf32, #tpu.memory_space<vmem>>, vector<1x16xf32>,
        %parallel_loop3A_654 = vector.shape_cast %parallel_loop3A_653 : vector<1x16xf32> to vector<16xf32>
        %parallel_loop3A_655 = vector.shape_cast %parallel_loop3A_646 : vector<16xf32> to vector<1x16xf32>
        tpu.vector_store %parallel_loop3A_650[%parallel_loop3A_651, %parallel_loop3A_652], %parallel_loop3A_655 {strides = array<i32>} : memref<96x128xf32, #tpu.memory_space<vmem>>, vector<1x16xf32>,
        %parallel_loop3A_656 = arith.constant 0 : i32
        %parallel_loop3A_657 = arith.constant 0 : i32
        %parallel_loop3A_658 = tpu.memref_slice %arg6[%parallel_loop3A_347, %parallel_loop3A_656, %parallel_loop3A_657] : memref<2x128x96xf32, #tpu.memory_space<vmem>> -> memref<1x128x96xf32, #tpu.memory_space<vmem>>
        %parallel_loop3A_659 = tpu.memref_squeeze %parallel_loop3A_658 : memref<1x128x96xf32, #tpu.memory_space<vmem>> -> memref<128x96xf32, #tpu.memory_space<vmem>>
        %parallel_loop3A_660 = arith.index_cast %parallel_loop3A_415 : i32 to index
        %parallel_loop3A_661 = arith.constant 48 : index
        %parallel_loop3A_662 = tpu.vector_load %parallel_loop3A_659[%parallel_loop3A_660, %parallel_loop3A_661] {strides = array<i32>} : memref<128x96xf32, #tpu.memory_space<vmem>>, vector<1x16xf32>,
        %parallel_loop3A_663 = vector.shape_cast %parallel_loop3A_662 : vector<1x16xf32> to vector<16xf32>
        %parallel_loop3A_664 = arith.constant 0 : i32
        %parallel_loop3A_665 = arith.constant 0 : i32
        %parallel_loop3A_666 = tpu.memref_slice %arg7[%parallel_loop3A_348, %parallel_loop3A_664, %parallel_loop3A_665] : memref<2x128x96xf32, #tpu.memory_space<vmem>> -> memref<1x128x96xf32, #tpu.memory_space<vmem>>
        %parallel_loop3A_667 = tpu.memref_squeeze %parallel_loop3A_666 : memref<1x128x96xf32, #tpu.memory_space<vmem>> -> memref<128x96xf32, #tpu.memory_space<vmem>>
        %parallel_loop3A_668 = arith.index_cast %parallel_loop3A_415 : i32 to index
        %parallel_loop3A_669 = arith.constant 48 : index
        %parallel_loop3A_670 = tpu.vector_load %parallel_loop3A_667[%parallel_loop3A_668, %parallel_loop3A_669] {strides = array<i32>} : memref<128x96xf32, #tpu.memory_space<vmem>>, vector<1x16xf32>,
        %parallel_loop3A_671 = vector.shape_cast %parallel_loop3A_670 : vector<1x16xf32> to vector<16xf32>
        %parallel_loop3A_672 = arith.constant 96 : i32
        %parallel_loop3A_673 = arith.muli %parallel_loop3A_415, %parallel_loop3A_672 : i32
        %parallel_loop3A_674 = arith.constant 48 : i32
        %parallel_loop3A_675 = arith.addi %parallel_loop3A_673, %parallel_loop3A_674 : i32
        %parallel_loop3A_676 = arith.constant 128 : i32
        %parallel_loop3A_677 = arith.divsi %parallel_loop3A_675, %parallel_loop3A_676 : i32
        %parallel_loop3A_678 = arith.constant 0 : i32
        %parallel_loop3A_679 = arith.cmpi sgt, %parallel_loop3A_675, %parallel_loop3A_678 : i32
        %parallel_loop3A_680 = arith.extui %parallel_loop3A_679 : i1 to i32
        %parallel_loop3A_681 = arith.constant 0 : i32
        %parallel_loop3A_682 = arith.cmpi slt, %parallel_loop3A_675, %parallel_loop3A_681 : i32
        %parallel_loop3A_683 = arith.extui %parallel_loop3A_682 : i1 to i32
        %parallel_loop3A_684 = arith.subi %parallel_loop3A_680, %parallel_loop3A_683 : i32
        %parallel_loop3A_685 = arith.constant 0 : i32
        %parallel_loop3A_686 = arith.cmpi sgt, %parallel_loop3A_676, %parallel_loop3A_685 : i32
        %parallel_loop3A_687 = arith.extui %parallel_loop3A_686 : i1 to i32
        %parallel_loop3A_688 = arith.constant 0 : i32
        %parallel_loop3A_689 = arith.cmpi slt, %parallel_loop3A_676, %parallel_loop3A_688 : i32
        %parallel_loop3A_690 = arith.extui %parallel_loop3A_689 : i1 to i32
        %parallel_loop3A_691 = arith.subi %parallel_loop3A_687, %parallel_loop3A_690 : i32
        %parallel_loop3A_692 = arith.cmpi ne, %parallel_loop3A_684, %parallel_loop3A_691 : i32
        %parallel_loop3A_693 = arith.remsi %parallel_loop3A_675, %parallel_loop3A_676 : i32
        %parallel_loop3A_694 = arith.constant 0 : i32
        %parallel_loop3A_695 = arith.cmpi ne, %parallel_loop3A_693, %parallel_loop3A_694 : i32
        %parallel_loop3A_696 = arith.andi %parallel_loop3A_692, %parallel_loop3A_695 : i1
        %parallel_loop3A_697 = arith.constant 1 : i32
        %parallel_loop3A_698 = arith.subi %parallel_loop3A_677, %parallel_loop3A_697 : i32
        %parallel_loop3A_699 = arith.select %parallel_loop3A_696, %parallel_loop3A_698, %parallel_loop3A_677 : i32
        %parallel_loop3A_700 = arith.constant 128 : i32
        %parallel_loop3A_701 = arith.constant 0 : i32
        %parallel_loop3A_702 = arith.cmpi eq, %parallel_loop3A_700, %parallel_loop3A_701 : i32
        %parallel_loop3A_703 = arith.constant 1 : i32
        %parallel_loop3A_704 = arith.select %parallel_loop3A_702, %parallel_loop3A_703, %parallel_loop3A_700 : i32
        %parallel_loop3A_705 = arith.remsi %parallel_loop3A_675, %parallel_loop3A_704 : i32
        %parallel_loop3A_706 = arith.constant 0 : i32
        %parallel_loop3A_707 = arith.cmpi ne, %parallel_loop3A_705, %parallel_loop3A_706 : i32
        %parallel_loop3A_708 = arith.constant 0 : i32
        %parallel_loop3A_709 = arith.cmpi slt, %parallel_loop3A_705, %parallel_loop3A_708 : i32
        %parallel_loop3A_710 = arith.constant 0 : i32
        %parallel_loop3A_711 = arith.cmpi slt, %parallel_loop3A_704, %parallel_loop3A_710 : i32
        %parallel_loop3A_712 = arith.xori %parallel_loop3A_709, %parallel_loop3A_711 : i1
        %parallel_loop3A_713 = arith.andi %parallel_loop3A_712, %parallel_loop3A_707 : i1
        %parallel_loop3A_714 = arith.addi %parallel_loop3A_705, %parallel_loop3A_704 : i32
        %parallel_loop3A_715 = arith.select %parallel_loop3A_713, %parallel_loop3A_714, %parallel_loop3A_705 : i32
        %parallel_loop3A_716 = arith.select %eq3A_57, %parallel_loop3A_671, %parallel_loop3A_663 : vector<16xi1>, vector<16xf32>
        %parallel_loop3A_717 = arith.constant 0 : i32
        %parallel_loop3A_718 = arith.constant 0 : i32
        %parallel_loop3A_719 = tpu.memref_slice %arg8[%parallel_loop3A_349, %parallel_loop3A_717, %parallel_loop3A_718] : memref<2x96x128xf32, #tpu.memory_space<vmem>> -> memref<1x96x128xf32, #tpu.memory_space<vmem>>
        %parallel_loop3A_720 = tpu.memref_squeeze %parallel_loop3A_719 : memref<1x96x128xf32, #tpu.memory_space<vmem>> -> memref<96x128xf32, #tpu.memory_space<vmem>>
        %parallel_loop3A_721 = arith.index_cast %parallel_loop3A_699 : i32 to index
        %parallel_loop3A_722 = arith.index_cast %parallel_loop3A_715 : i32 to index
        %parallel_loop3A_723 = tpu.vector_load %parallel_loop3A_720[%parallel_loop3A_721, %parallel_loop3A_722] {strides = array<i32>} : memref<96x128xf32, #tpu.memory_space<vmem>>, vector<1x16xf32>,
        %parallel_loop3A_724 = vector.shape_cast %parallel_loop3A_723 : vector<1x16xf32> to vector<16xf32>
        %parallel_loop3A_725 = vector.shape_cast %parallel_loop3A_716 : vector<16xf32> to vector<1x16xf32>
        tpu.vector_store %parallel_loop3A_720[%parallel_loop3A_721, %parallel_loop3A_722], %parallel_loop3A_725 {strides = array<i32>} : memref<96x128xf32, #tpu.memory_space<vmem>>, vector<1x16xf32>,
        %parallel_loop3A_726 = arith.select %eq3A_57, %parallel_loop3A_663, %parallel_loop3A_671 : vector<16xi1>, vector<16xf32>
        %parallel_loop3A_727 = arith.constant 0 : i32
        %parallel_loop3A_728 = arith.constant 0 : i32
        %parallel_loop3A_729 = tpu.memref_slice %arg9[%parallel_loop3A_350, %parallel_loop3A_727, %parallel_loop3A_728] : memref<2x96x128xf32, #tpu.memory_space<vmem>> -> memref<1x96x128xf32, #tpu.memory_space<vmem>>
        %parallel_loop3A_730 = tpu.memref_squeeze %parallel_loop3A_729 : memref<1x96x128xf32, #tpu.memory_space<vmem>> -> memref<96x128xf32, #tpu.memory_space<vmem>>
        %parallel_loop3A_731 = arith.index_cast %parallel_loop3A_699 : i32 to index
        %parallel_loop3A_732 = arith.index_cast %parallel_loop3A_715 : i32 to index
        %parallel_loop3A_733 = tpu.vector_load %parallel_loop3A_730[%parallel_loop3A_731, %parallel_loop3A_732] {strides = array<i32>} : memref<96x128xf32, #tpu.memory_space<vmem>>, vector<1x16xf32>,
        %parallel_loop3A_734 = vector.shape_cast %parallel_loop3A_733 : vector<1x16xf32> to vector<16xf32>
        %parallel_loop3A_735 = vector.shape_cast %parallel_loop3A_726 : vector<16xf32> to vector<1x16xf32>
        tpu.vector_store %parallel_loop3A_730[%parallel_loop3A_731, %parallel_loop3A_732], %parallel_loop3A_735 {strides = array<i32>} : memref<96x128xf32, #tpu.memory_space<vmem>>, vector<1x16xf32>,
        %parallel_loop3A_736 = arith.constant 0 : i32
        %parallel_loop3A_737 = arith.constant 0 : i32
        %parallel_loop3A_738 = tpu.memref_slice %arg6[%parallel_loop3A_347, %parallel_loop3A_736, %parallel_loop3A_737] : memref<2x128x96xf32, #tpu.memory_space<vmem>> -> memref<1x128x96xf32, #tpu.memory_space<vmem>>
        %parallel_loop3A_739 = tpu.memref_squeeze %parallel_loop3A_738 : memref<1x128x96xf32, #tpu.memory_space<vmem>> -> memref<128x96xf32, #tpu.memory_space<vmem>>
        %parallel_loop3A_740 = arith.index_cast %parallel_loop3A_415 : i32 to index
        %parallel_loop3A_741 = arith.constant 64 : index
        %parallel_loop3A_742 = tpu.vector_load %parallel_loop3A_739[%parallel_loop3A_740, %parallel_loop3A_741] {strides = array<i32>} : memref<128x96xf32, #tpu.memory_space<vmem>>, vector<1x16xf32>,
        %parallel_loop3A_743 = vector.shape_cast %parallel_loop3A_742 : vector<1x16xf32> to vector<16xf32>
        %parallel_loop3A_744 = arith.constant 0 : i32
        %parallel_loop3A_745 = arith.constant 0 : i32
        %parallel_loop3A_746 = tpu.memref_slice %arg7[%parallel_loop3A_348, %parallel_loop3A_744, %parallel_loop3A_745] : memref<2x128x96xf32, #tpu.memory_space<vmem>> -> memref<1x128x96xf32, #tpu.memory_space<vmem>>
        %parallel_loop3A_747 = tpu.memref_squeeze %parallel_loop3A_746 : memref<1x128x96xf32, #tpu.memory_space<vmem>> -> memref<128x96xf32, #tpu.memory_space<vmem>>
        %parallel_loop3A_748 = arith.index_cast %parallel_loop3A_415 : i32 to index
        %parallel_loop3A_749 = arith.constant 64 : index
        %parallel_loop3A_750 = tpu.vector_load %parallel_loop3A_747[%parallel_loop3A_748, %parallel_loop3A_749] {strides = array<i32>} : memref<128x96xf32, #tpu.memory_space<vmem>>, vector<1x16xf32>,
        %parallel_loop3A_751 = vector.shape_cast %parallel_loop3A_750 : vector<1x16xf32> to vector<16xf32>
        %parallel_loop3A_752 = arith.constant 96 : i32
        %parallel_loop3A_753 = arith.muli %parallel_loop3A_415, %parallel_loop3A_752 : i32
        %parallel_loop3A_754 = arith.constant 64 : i32
        %parallel_loop3A_755 = arith.addi %parallel_loop3A_753, %parallel_loop3A_754 : i32
        %parallel_loop3A_756 = arith.constant 128 : i32
        %parallel_loop3A_757 = arith.divsi %parallel_loop3A_755, %parallel_loop3A_756 : i32
        %parallel_loop3A_758 = arith.constant 0 : i32
        %parallel_loop3A_759 = arith.cmpi sgt, %parallel_loop3A_755, %parallel_loop3A_758 : i32
        %parallel_loop3A_760 = arith.extui %parallel_loop3A_759 : i1 to i32
        %parallel_loop3A_761 = arith.constant 0 : i32
        %parallel_loop3A_762 = arith.cmpi slt, %parallel_loop3A_755, %parallel_loop3A_761 : i32
        %parallel_loop3A_763 = arith.extui %parallel_loop3A_762 : i1 to i32
        %parallel_loop3A_764 = arith.subi %parallel_loop3A_760, %parallel_loop3A_763 : i32
        %parallel_loop3A_765 = arith.constant 0 : i32
        %parallel_loop3A_766 = arith.cmpi sgt, %parallel_loop3A_756, %parallel_loop3A_765 : i32
        %parallel_loop3A_767 = arith.extui %parallel_loop3A_766 : i1 to i32
        %parallel_loop3A_768 = arith.constant 0 : i32
        %parallel_loop3A_769 = arith.cmpi slt, %parallel_loop3A_756, %parallel_loop3A_768 : i32
        %parallel_loop3A_770 = arith.extui %parallel_loop3A_769 : i1 to i32
        %parallel_loop3A_771 = arith.subi %parallel_loop3A_767, %parallel_loop3A_770 : i32
        %parallel_loop3A_772 = arith.cmpi ne, %parallel_loop3A_764, %parallel_loop3A_771 : i32
        %parallel_loop3A_773 = arith.remsi %parallel_loop3A_755, %parallel_loop3A_756 : i32
        %parallel_loop3A_774 = arith.constant 0 : i32
        %parallel_loop3A_775 = arith.cmpi ne, %parallel_loop3A_773, %parallel_loop3A_774 : i32
        %parallel_loop3A_776 = arith.andi %parallel_loop3A_772, %parallel_loop3A_775 : i1
        %parallel_loop3A_777 = arith.constant 1 : i32
        %parallel_loop3A_778 = arith.subi %parallel_loop3A_757, %parallel_loop3A_777 : i32
        %parallel_loop3A_779 = arith.select %parallel_loop3A_776, %parallel_loop3A_778, %parallel_loop3A_757 : i32
        %parallel_loop3A_780 = arith.constant 128 : i32
        %parallel_loop3A_781 = arith.constant 0 : i32
        %parallel_loop3A_782 = arith.cmpi eq, %parallel_loop3A_780, %parallel_loop3A_781 : i32
        %parallel_loop3A_783 = arith.constant 1 : i32
        %parallel_loop3A_784 = arith.select %parallel_loop3A_782, %parallel_loop3A_783, %parallel_loop3A_780 : i32
        %parallel_loop3A_785 = arith.remsi %parallel_loop3A_755, %parallel_loop3A_784 : i32
        %parallel_loop3A_786 = arith.constant 0 : i32
        %parallel_loop3A_787 = arith.cmpi ne, %parallel_loop3A_785, %parallel_loop3A_786 : i32
        %parallel_loop3A_788 = arith.constant 0 : i32
        %parallel_loop3A_789 = arith.cmpi slt, %parallel_loop3A_785, %parallel_loop3A_788 : i32
        %parallel_loop3A_790 = arith.constant 0 : i32
        %parallel_loop3A_791 = arith.cmpi slt, %parallel_loop3A_784, %parallel_loop3A_790 : i32
        %parallel_loop3A_792 = arith.xori %parallel_loop3A_789, %parallel_loop3A_791 : i1
        %parallel_loop3A_793 = arith.andi %parallel_loop3A_792, %parallel_loop3A_787 : i1
        %parallel_loop3A_794 = arith.addi %parallel_loop3A_785, %parallel_loop3A_784 : i32
        %parallel_loop3A_795 = arith.select %parallel_loop3A_793, %parallel_loop3A_794, %parallel_loop3A_785 : i32
        %parallel_loop3A_796 = arith.select %eq3A_57, %parallel_loop3A_751, %parallel_loop3A_743 : vector<16xi1>, vector<16xf32>
        %parallel_loop3A_797 = arith.constant 0 : i32
        %parallel_loop3A_798 = arith.constant 0 : i32
        %parallel_loop3A_799 = tpu.memref_slice %arg8[%parallel_loop3A_349, %parallel_loop3A_797, %parallel_loop3A_798] : memref<2x96x128xf32, #tpu.memory_space<vmem>> -> memref<1x96x128xf32, #tpu.memory_space<vmem>>
        %parallel_loop3A_800 = tpu.memref_squeeze %parallel_loop3A_799 : memref<1x96x128xf32, #tpu.memory_space<vmem>> -> memref<96x128xf32, #tpu.memory_space<vmem>>
        %parallel_loop3A_801 = arith.index_cast %parallel_loop3A_779 : i32 to index
        %parallel_loop3A_802 = arith.index_cast %parallel_loop3A_795 : i32 to index
        %parallel_loop3A_803 = tpu.vector_load %parallel_loop3A_800[%parallel_loop3A_801, %parallel_loop3A_802] {strides = array<i32>} : memref<96x128xf32, #tpu.memory_space<vmem>>, vector<1x16xf32>,
        %parallel_loop3A_804 = vector.shape_cast %parallel_loop3A_803 : vector<1x16xf32> to vector<16xf32>
        %parallel_loop3A_805 = vector.shape_cast %parallel_loop3A_796 : vector<16xf32> to vector<1x16xf32>
        tpu.vector_store %parallel_loop3A_800[%parallel_loop3A_801, %parallel_loop3A_802], %parallel_loop3A_805 {strides = array<i32>} : memref<96x128xf32, #tpu.memory_space<vmem>>, vector<1x16xf32>,
        %parallel_loop3A_806 = arith.select %eq3A_57, %parallel_loop3A_743, %parallel_loop3A_751 : vector<16xi1>, vector<16xf32>
        %parallel_loop3A_807 = arith.constant 0 : i32
        %parallel_loop3A_808 = arith.constant 0 : i32
        %parallel_loop3A_809 = tpu.memref_slice %arg9[%parallel_loop3A_350, %parallel_loop3A_807, %parallel_loop3A_808] : memref<2x96x128xf32, #tpu.memory_space<vmem>> -> memref<1x96x128xf32, #tpu.memory_space<vmem>>
        %parallel_loop3A_810 = tpu.memref_squeeze %parallel_loop3A_809 : memref<1x96x128xf32, #tpu.memory_space<vmem>> -> memref<96x128xf32, #tpu.memory_space<vmem>>
        %parallel_loop3A_811 = arith.index_cast %parallel_loop3A_779 : i32 to index
        %parallel_loop3A_812 = arith.index_cast %parallel_loop3A_795 : i32 to index
        %parallel_loop3A_813 = tpu.vector_load %parallel_loop3A_810[%parallel_loop3A_811, %parallel_loop3A_812] {strides = array<i32>} : memref<96x128xf32, #tpu.memory_space<vmem>>, vector<1x16xf32>,
        %parallel_loop3A_814 = vector.shape_cast %parallel_loop3A_813 : vector<1x16xf32> to vector<16xf32>
        %parallel_loop3A_815 = vector.shape_cast %parallel_loop3A_806 : vector<16xf32> to vector<1x16xf32>
        tpu.vector_store %parallel_loop3A_810[%parallel_loop3A_811, %parallel_loop3A_812], %parallel_loop3A_815 {strides = array<i32>} : memref<96x128xf32, #tpu.memory_space<vmem>>, vector<1x16xf32>,
        %parallel_loop3A_816 = arith.constant 0 : i32
        %parallel_loop3A_817 = arith.constant 0 : i32
        %parallel_loop3A_818 = tpu.memref_slice %arg6[%parallel_loop3A_347, %parallel_loop3A_816, %parallel_loop3A_817] : memref<2x128x96xf32, #tpu.memory_space<vmem>> -> memref<1x128x96xf32, #tpu.memory_space<vmem>>
        %parallel_loop3A_819 = tpu.memref_squeeze %parallel_loop3A_818 : memref<1x128x96xf32, #tpu.memory_space<vmem>> -> memref<128x96xf32, #tpu.memory_space<vmem>>
        %parallel_loop3A_820 = arith.index_cast %parallel_loop3A_415 : i32 to index
        %parallel_loop3A_821 = arith.constant 80 : index
        %parallel_loop3A_822 = tpu.vector_load %parallel_loop3A_819[%parallel_loop3A_820, %parallel_loop3A_821] {strides = array<i32>} : memref<128x96xf32, #tpu.memory_space<vmem>>, vector<1x16xf32>,
        %parallel_loop3A_823 = vector.shape_cast %parallel_loop3A_822 : vector<1x16xf32> to vector<16xf32>
        %parallel_loop3A_824 = arith.constant 0 : i32
        %parallel_loop3A_825 = arith.constant 0 : i32
        %parallel_loop3A_826 = tpu.memref_slice %arg7[%parallel_loop3A_348, %parallel_loop3A_824, %parallel_loop3A_825] : memref<2x128x96xf32, #tpu.memory_space<vmem>> -> memref<1x128x96xf32, #tpu.memory_space<vmem>>
        %parallel_loop3A_827 = tpu.memref_squeeze %parallel_loop3A_826 : memref<1x128x96xf32, #tpu.memory_space<vmem>> -> memref<128x96xf32, #tpu.memory_space<vmem>>
        %parallel_loop3A_828 = arith.index_cast %parallel_loop3A_415 : i32 to index
        %parallel_loop3A_829 = arith.constant 80 : index
        %parallel_loop3A_830 = tpu.vector_load %parallel_loop3A_827[%parallel_loop3A_828, %parallel_loop3A_829] {strides = array<i32>} : memref<128x96xf32, #tpu.memory_space<vmem>>, vector<1x16xf32>,
        %parallel_loop3A_831 = vector.shape_cast %parallel_loop3A_830 : vector<1x16xf32> to vector<16xf32>
        %parallel_loop3A_832 = arith.constant 96 : i32
        %parallel_loop3A_833 = arith.muli %parallel_loop3A_415, %parallel_loop3A_832 : i32
        %parallel_loop3A_834 = arith.constant 80 : i32
        %parallel_loop3A_835 = arith.addi %parallel_loop3A_833, %parallel_loop3A_834 : i32
        %parallel_loop3A_836 = arith.constant 128 : i32
        %parallel_loop3A_837 = arith.divsi %parallel_loop3A_835, %parallel_loop3A_836 : i32
        %parallel_loop3A_838 = arith.constant 0 : i32
        %parallel_loop3A_839 = arith.cmpi sgt, %parallel_loop3A_835, %parallel_loop3A_838 : i32
        %parallel_loop3A_840 = arith.extui %parallel_loop3A_839 : i1 to i32
        %parallel_loop3A_841 = arith.constant 0 : i32
        %parallel_loop3A_842 = arith.cmpi slt, %parallel_loop3A_835, %parallel_loop3A_841 : i32
        %parallel_loop3A_843 = arith.extui %parallel_loop3A_842 : i1 to i32
        %parallel_loop3A_844 = arith.subi %parallel_loop3A_840, %parallel_loop3A_843 : i32
        %parallel_loop3A_845 = arith.constant 0 : i32
        %parallel_loop3A_846 = arith.cmpi sgt, %parallel_loop3A_836, %parallel_loop3A_845 : i32
        %parallel_loop3A_847 = arith.extui %parallel_loop3A_846 : i1 to i32
        %parallel_loop3A_848 = arith.constant 0 : i32
        %parallel_loop3A_849 = arith.cmpi slt, %parallel_loop3A_836, %parallel_loop3A_848 : i32
        %parallel_loop3A_850 = arith.extui %parallel_loop3A_849 : i1 to i32
        %parallel_loop3A_851 = arith.subi %parallel_loop3A_847, %parallel_loop3A_850 : i32
        %parallel_loop3A_852 = arith.cmpi ne, %parallel_loop3A_844, %parallel_loop3A_851 : i32
        %parallel_loop3A_853 = arith.remsi %parallel_loop3A_835, %parallel_loop3A_836 : i32
        %parallel_loop3A_854 = arith.constant 0 : i32
        %parallel_loop3A_855 = arith.cmpi ne, %parallel_loop3A_853, %parallel_loop3A_854 : i32
        %parallel_loop3A_856 = arith.andi %parallel_loop3A_852, %parallel_loop3A_855 : i1
        %parallel_loop3A_857 = arith.constant 1 : i32
        %parallel_loop3A_858 = arith.subi %parallel_loop3A_837, %parallel_loop3A_857 : i32
        %parallel_loop3A_859 = arith.select %parallel_loop3A_856, %parallel_loop3A_858, %parallel_loop3A_837 : i32
        %parallel_loop3A_860 = arith.constant 128 : i32
        %parallel_loop3A_861 = arith.constant 0 : i32
        %parallel_loop3A_862 = arith.cmpi eq, %parallel_loop3A_860, %parallel_loop3A_861 : i32
        %parallel_loop3A_863 = arith.constant 1 : i32
        %parallel_loop3A_864 = arith.select %parallel_loop3A_862, %parallel_loop3A_863, %parallel_loop3A_860 : i32
        %parallel_loop3A_865 = arith.remsi %parallel_loop3A_835, %parallel_loop3A_864 : i32
        %parallel_loop3A_866 = arith.constant 0 : i32
        %parallel_loop3A_867 = arith.cmpi ne, %parallel_loop3A_865, %parallel_loop3A_866 : i32
        %parallel_loop3A_868 = arith.constant 0 : i32
        %parallel_loop3A_869 = arith.cmpi slt, %parallel_loop3A_865, %parallel_loop3A_868 : i32
        %parallel_loop3A_870 = arith.constant 0 : i32
        %parallel_loop3A_871 = arith.cmpi slt, %parallel_loop3A_864, %parallel_loop3A_870 : i32
        %parallel_loop3A_872 = arith.xori %parallel_loop3A_869, %parallel_loop3A_871 : i1
        %parallel_loop3A_873 = arith.andi %parallel_loop3A_872, %parallel_loop3A_867 : i1
        %parallel_loop3A_874 = arith.addi %parallel_loop3A_865, %parallel_loop3A_864 : i32
        %parallel_loop3A_875 = arith.select %parallel_loop3A_873, %parallel_loop3A_874, %parallel_loop3A_865 : i32
        %parallel_loop3A_876 = arith.select %eq3A_57, %parallel_loop3A_831, %parallel_loop3A_823 : vector<16xi1>, vector<16xf32>
        %parallel_loop3A_877 = arith.constant 0 : i32
        %parallel_loop3A_878 = arith.constant 0 : i32
        %parallel_loop3A_879 = tpu.memref_slice %arg8[%parallel_loop3A_349, %parallel_loop3A_877, %parallel_loop3A_878] : memref<2x96x128xf32, #tpu.memory_space<vmem>> -> memref<1x96x128xf32, #tpu.memory_space<vmem>>
        %parallel_loop3A_880 = tpu.memref_squeeze %parallel_loop3A_879 : memref<1x96x128xf32, #tpu.memory_space<vmem>> -> memref<96x128xf32, #tpu.memory_space<vmem>>
        %parallel_loop3A_881 = arith.index_cast %parallel_loop3A_859 : i32 to index
        %parallel_loop3A_882 = arith.index_cast %parallel_loop3A_875 : i32 to index
        %parallel_loop3A_883 = tpu.vector_load %parallel_loop3A_880[%parallel_loop3A_881, %parallel_loop3A_882] {strides = array<i32>} : memref<96x128xf32, #tpu.memory_space<vmem>>, vector<1x16xf32>,
        %parallel_loop3A_884 = vector.shape_cast %parallel_loop3A_883 : vector<1x16xf32> to vector<16xf32>
        %parallel_loop3A_885 = vector.shape_cast %parallel_loop3A_876 : vector<16xf32> to vector<1x16xf32>
        tpu.vector_store %parallel_loop3A_880[%parallel_loop3A_881, %parallel_loop3A_882], %parallel_loop3A_885 {strides = array<i32>} : memref<96x128xf32, #tpu.memory_space<vmem>>, vector<1x16xf32>,
        %parallel_loop3A_886 = arith.select %eq3A_57, %parallel_loop3A_823, %parallel_loop3A_831 : vector<16xi1>, vector<16xf32>
        %parallel_loop3A_887 = arith.constant 0 : i32
        %parallel_loop3A_888 = arith.constant 0 : i32
        %parallel_loop3A_889 = tpu.memref_slice %arg9[%parallel_loop3A_350, %parallel_loop3A_887, %parallel_loop3A_888] : memref<2x96x128xf32, #tpu.memory_space<vmem>> -> memref<1x96x128xf32, #tpu.memory_space<vmem>>
        %parallel_loop3A_890 = tpu.memref_squeeze %parallel_loop3A_889 : memref<1x96x128xf32, #tpu.memory_space<vmem>> -> memref<96x128xf32, #tpu.memory_space<vmem>>
        %parallel_loop3A_891 = arith.index_cast %parallel_loop3A_859 : i32 to index
        %parallel_loop3A_892 = arith.index_cast %parallel_loop3A_875 : i32 to index
        %parallel_loop3A_893 = tpu.vector_load %parallel_loop3A_890[%parallel_loop3A_891, %parallel_loop3A_892] {strides = array<i32>} : memref<96x128xf32, #tpu.memory_space<vmem>>, vector<1x16xf32>,
        %parallel_loop3A_894 = vector.shape_cast %parallel_loop3A_893 : vector<1x16xf32> to vector<16xf32>
        %parallel_loop3A_895 = vector.shape_cast %parallel_loop3A_886 : vector<16xf32> to vector<1x16xf32>
        tpu.vector_store %parallel_loop3A_890[%parallel_loop3A_891, %parallel_loop3A_892], %parallel_loop3A_895 {strides = array<i32>} : memref<96x128xf32, #tpu.memory_space<vmem>>, vector<1x16xf32>,
      } {sc.loop_unroll_factor = 2 : i64, sc.parallel_access}
      %mul3A_351 = arith.constant 50176 : i32
      %mul3A_352 = arith.muli %select_n3A, %mul3A_351 : i32
      %add3A_353 = arith.addi %mul3A_352, %mul3A_32 : i32
      %mul3A_354 = arith.constant 128 : i32
      %mul3A_355 = arith.muli %add3A_302, %mul3A_354 : i32
      %add3A_356 = arith.addi %add3A_353, %mul3A_355 : i32
      %mul3A_357 = arith.constant 96 : i32
      %mul3A_358 = arith.muli %add3A_356, %mul3A_357 : i32
      %jit3A_359 = arith.constant 128 : i32
      %div3A_360 = arith.divsi %mul3A_358, %jit3A_359 : i32
      %sign3A_361 = arith.constant 0 : i32
      %sign3A_362 = arith.cmpi sgt, %mul3A_358, %sign3A_361 : i32
      %sign3A_363 = arith.extui %sign3A_362 : i1 to i32
      %sign3A_364 = arith.constant 0 : i32
      %sign3A_365 = arith.cmpi slt, %mul3A_358, %sign3A_364 : i32
      %sign3A_366 = arith.extui %sign3A_365 : i1 to i32
      %sign3A_367 = arith.subi %sign3A_363, %sign3A_366 : i32
      %sign3A_368 = arith.constant 0 : i32
      %sign3A_369 = arith.cmpi sgt, %jit3A_359, %sign3A_368 : i32
      %sign3A_370 = arith.extui %sign3A_369 : i1 to i32
      %sign3A_371 = arith.constant 0 : i32
      %sign3A_372 = arith.cmpi slt, %jit3A_359, %sign3A_371 : i32
      %sign3A_373 = arith.extui %sign3A_372 : i1 to i32
      %sign3A_374 = arith.subi %sign3A_370, %sign3A_373 : i32
      %ne3A_375 = arith.cmpi ne, %sign3A_367, %sign3A_374 : i32
      %rem3A_376 = arith.remsi %mul3A_358, %jit3A_359 : i32
      %ne3A_377 = arith.constant 0 : i32
      %ne3A_378 = arith.cmpi ne, %rem3A_376, %ne3A_377 : i32
      %and3A_379 = arith.andi %ne3A_375, %ne3A_378 : i1
      %sub3A_380 = arith.constant 1 : i32
      %sub3A_381 = arith.subi %div3A_360, %sub3A_380 : i32
      %select_n3A_382 = arith.select %and3A_379, %sub3A_381, %div3A_360 : i32
      %multiple_of3A_383 = tpu.assume_multiple %select_n3A_382, 8 : i32
      %dma_start3A_384 = arith.constant 1 : i32
      %dma_start3A_385 = arith.constant 0 : i32
      %dma_start3A_386 = arith.constant 0 : i32
      %dma_start3A_387 = tpu.memref_slice %arg8[%dma_start3A_384, %dma_start3A_385, %dma_start3A_386] : memref<2x96x128xf32, #tpu.memory_space<vmem>> -> memref<1x96x128xf32, #tpu.memory_space<vmem>>
      %dma_start3A_388 = tpu.memref_squeeze %dma_start3A_387 : memref<1x96x128xf32, #tpu.memory_space<vmem>> -> memref<96x128xf32, #tpu.memory_space<vmem>>
      %dma_start3A_389 = arith.constant 0 : i32
      %dma_start3A_390 = tpu.memref_slice %arg4[%multiple_of3A_383, %dma_start3A_389] : memref<301056x128xf32, #tpu.memory_space<hbm>> -> memref<96x128xf32, #tpu.memory_space<hbm>>
      %dma_start3A_391 = arith.constant 0 : i32
      %dma_start3A_392 = tpu.memref_slice %arg4[%multiple_of3A_383, %dma_start3A_391] : memref<301056x128xf32, #tpu.memory_space<hbm>> -> memref<96x128xf32, #tpu.memory_space<hbm>>
      %dma_start3A_393 = arith.constant 0 : i32
      %dma_start3A_394 = arith.constant 0 : i32
      %dma_start3A_395 = tpu.memref_slice %arg8[%dma_start3A_384, %dma_start3A_393, %dma_start3A_394] : memref<2x96x128xf32, #tpu.memory_space<vmem>> -> memref<1x96x128xf32, #tpu.memory_space<vmem>>
      %dma_start3A_396 = tpu.memref_squeeze %dma_start3A_395 : memref<1x96x128xf32, #tpu.memory_space<vmem>> -> memref<96x128xf32, #tpu.memory_space<vmem>>
      tpu.enqueue_dma source(%dma_start3A_396 : memref<96x128xf32, #tpu.memory_space<vmem>>) target(%dma_start3A_392 : memref<96x128xf32, #tpu.memory_space<hbm>>) target_semaphore(%arg13 : memref<!tpu.dma_semaphore, #tpu.memory_space<semaphore_mem>>)
      %dma_start3A_397 = arith.constant 1 : i32
      %dma_start3A_398 = arith.constant 0 : i32
      %dma_start3A_399 = arith.constant 0 : i32
      %dma_start3A_400 = tpu.memref_slice %arg9[%dma_start3A_397, %dma_start3A_398, %dma_start3A_399] : memref<2x96x128xf32, #tpu.memory_space<vmem>> -> memref<1x96x128xf32, #tpu.memory_space<vmem>>
      %dma_start3A_401 = tpu.memref_squeeze %dma_start3A_400 : memref<1x96x128xf32, #tpu.memory_space<vmem>> -> memref<96x128xf32, #tpu.memory_space<vmem>>
      %dma_start3A_402 = arith.constant 0 : i32
      %dma_start3A_403 = tpu.memref_slice %arg5[%multiple_of3A_383, %dma_start3A_402] : memref<301056x128xf32, #tpu.memory_space<hbm>> -> memref<96x128xf32, #tpu.memory_space<hbm>>
      %dma_start3A_404 = arith.constant 0 : i32
      %dma_start3A_405 = tpu.memref_slice %arg5[%multiple_of3A_383, %dma_start3A_404] : memref<301056x128xf32, #tpu.memory_space<hbm>> -> memref<96x128xf32, #tpu.memory_space<hbm>>
      %dma_start3A_406 = arith.constant 0 : i32
      %dma_start3A_407 = arith.constant 0 : i32
      %dma_start3A_408 = tpu.memref_slice %arg9[%dma_start3A_397, %dma_start3A_406, %dma_start3A_407] : memref<2x96x128xf32, #tpu.memory_space<vmem>> -> memref<1x96x128xf32, #tpu.memory_space<vmem>>
      %dma_start3A_409 = tpu.memref_squeeze %dma_start3A_408 : memref<1x96x128xf32, #tpu.memory_space<vmem>> -> memref<96x128xf32, #tpu.memory_space<vmem>>
      tpu.enqueue_dma source(%dma_start3A_409 : memref<96x128xf32, #tpu.memory_space<vmem>>) target(%dma_start3A_405 : memref<96x128xf32, #tpu.memory_space<hbm>>) target_semaphore(%arg13 : memref<!tpu.dma_semaphore, #tpu.memory_space<semaphore_mem>>)
      %lt3A_410 = arith.constant 48 : i32
      %lt3A_411 = arith.cmpi slt, %scan3A_186, %lt3A_410 : i32
      %convert_element_type3A_412 = arith.extui %lt3A_411 : i1 to i32
      %cond3A_413 = arith.constant 0 : i32
      %cond3A_414 = arith.cmpi ne, %convert_element_type3A_412, %cond3A_413 : i32
      scf.if %cond3A_414 {
        %add3A_415 = arith.constant 2 : i32
        %add3A_416 = arith.addi %add3A_302, %add3A_415 : i32
        %mul3A_417 = arith.constant 128 : i32
        %mul3A_418 = arith.muli %add3A_416, %mul3A_417 : i32
        %add3A_419 = arith.addi %mul3A_32, %mul3A_418 : i32
        %multiple_of3A_420 = tpu.assume_multiple %add3A_419, 8 : i32
        %dma_start3A_421 = arith.constant 1 : i32
        %dma_start3A_422 = arith.constant 0 : i32
        %dma_start3A_423 = arith.constant 0 : i32
        %dma_start3A_424 = tpu.memref_slice %arg6[%dma_start3A_421, %dma_start3A_422, %dma_start3A_423] : memref<2x128x96xf32, #tpu.memory_space<vmem>> -> memref<1x128x96xf32, #tpu.memory_space<vmem>>
        %dma_start3A_425 = tpu.memref_squeeze %dma_start3A_424 : memref<1x128x96xf32, #tpu.memory_space<vmem>> -> memref<128x96xf32, #tpu.memory_space<vmem>>
        %dma_start3A_426 = arith.constant 0 : i32
        %dma_start3A_427 = tpu.memref_slice %arg2[%select_n3A, %multiple_of3A_420, %dma_start3A_426] : memref<8x50176x96xf32, #tpu.memory_space<hbm>> -> memref<1x128x96xf32, #tpu.memory_space<hbm>>
        %dma_start3A_428 = tpu.memref_squeeze %dma_start3A_427 : memref<1x128x96xf32, #tpu.memory_space<hbm>> -> memref<128x96xf32, #tpu.memory_space<hbm>>
        %dma_start3A_429 = arith.constant 0 : i32
        %dma_start3A_430 = arith.constant 0 : i32
        %dma_start3A_431 = tpu.memref_slice %arg6[%dma_start3A_421, %dma_start3A_429, %dma_start3A_430] : memref<2x128x96xf32, #tpu.memory_space<vmem>> -> memref<1x128x96xf32, #tpu.memory_space<vmem>>
        %dma_start3A_432 = tpu.memref_squeeze %dma_start3A_431 : memref<1x128x96xf32, #tpu.memory_space<vmem>> -> memref<128x96xf32, #tpu.memory_space<vmem>>
        %dma_start3A_433 = arith.constant 0 : i32
        %dma_start3A_434 = tpu.memref_slice %arg2[%select_n3A, %multiple_of3A_420, %dma_start3A_433] : memref<8x50176x96xf32, #tpu.memory_space<hbm>> -> memref<1x128x96xf32, #tpu.memory_space<hbm>>
        %dma_start3A_435 = tpu.memref_squeeze %dma_start3A_434 : memref<1x128x96xf32, #tpu.memory_space<hbm>> -> memref<128x96xf32, #tpu.memory_space<hbm>>
        tpu.enqueue_dma source(%dma_start3A_435 : memref<128x96xf32, #tpu.memory_space<hbm>>) target(%dma_start3A_432 : memref<128x96xf32, #tpu.memory_space<vmem>>) target_semaphore(%arg11 : memref<!tpu.dma_semaphore, #tpu.memory_space<semaphore_mem>>)
        %dma_start3A_436 = arith.constant 1 : i32
        %dma_start3A_437 = arith.constant 0 : i32
        %dma_start3A_438 = arith.constant 0 : i32
        %dma_start3A_439 = tpu.memref_slice %arg7[%dma_start3A_436, %dma_start3A_437, %dma_start3A_438] : memref<2x128x96xf32, #tpu.memory_space<vmem>> -> memref<1x128x96xf32, #tpu.memory_space<vmem>>
        %dma_start3A_440 = tpu.memref_squeeze %dma_start3A_439 : memref<1x128x96xf32, #tpu.memory_space<vmem>> -> memref<128x96xf32, #tpu.memory_space<vmem>>
        %dma_start3A_441 = arith.constant 0 : i32
        %dma_start3A_442 = tpu.memref_slice %arg3[%select_n3A, %multiple_of3A_420, %dma_start3A_441] : memref<8x50176x96xf32, #tpu.memory_space<hbm>> -> memref<1x128x96xf32, #tpu.memory_space<hbm>>
        %dma_start3A_443 = tpu.memref_squeeze %dma_start3A_442 : memref<1x128x96xf32, #tpu.memory_space<hbm>> -> memref<128x96xf32, #tpu.memory_space<hbm>>
        %dma_start3A_444 = arith.constant 0 : i32
        %dma_start3A_445 = arith.constant 0 : i32
        %dma_start3A_446 = tpu.memref_slice %arg7[%dma_start3A_436, %dma_start3A_444, %dma_start3A_445] : memref<2x128x96xf32, #tpu.memory_space<vmem>> -> memref<1x128x96xf32, #tpu.memory_space<vmem>>
        %dma_start3A_447 = tpu.memref_squeeze %dma_start3A_446 : memref<1x128x96xf32, #tpu.memory_space<vmem>> -> memref<128x96xf32, #tpu.memory_space<vmem>>
        %dma_start3A_448 = arith.constant 0 : i32
        %dma_start3A_449 = tpu.memref_slice %arg3[%select_n3A, %multiple_of3A_420, %dma_start3A_448] : memref<8x50176x96xf32, #tpu.memory_space<hbm>> -> memref<1x128x96xf32, #tpu.memory_space<hbm>>
        %dma_start3A_450 = tpu.memref_squeeze %dma_start3A_449 : memref<1x128x96xf32, #tpu.memory_space<hbm>> -> memref<128x96xf32, #tpu.memory_space<hbm>>
        tpu.enqueue_dma source(%dma_start3A_450 : memref<128x96xf32, #tpu.memory_space<hbm>>) target(%dma_start3A_447 : memref<128x96xf32, #tpu.memory_space<vmem>>) target_semaphore(%arg11 : memref<!tpu.dma_semaphore, #tpu.memory_space<semaphore_mem>>)
      } else {
      }
    }
    %scan3A_126 = arith.constant 49 : i32
    %dma_wait3A = arith.constant 0 : i32
    %dma_wait3A_127 = arith.constant 0 : i32
    %dma_wait3A_128 = arith.constant 0 : i32
    %dma_wait3A_129 = tpu.memref_slice %arg8[%dma_wait3A, %dma_wait3A_127, %dma_wait3A_128] : memref<2x96x128xf32, #tpu.memory_space<vmem>> -> memref<1x96x128xf32, #tpu.memory_space<vmem>>
    %dma_wait3A_130 = tpu.memref_squeeze %dma_wait3A_129 : memref<1x96x128xf32, #tpu.memory_space<vmem>> -> memref<96x128xf32, #tpu.memory_space<vmem>>
    %dma_wait3A_131 = arith.constant 0 : i32
    %dma_wait3A_132 = arith.constant 0 : i32
    %dma_wait3A_133 = tpu.memref_slice %arg4[%dma_wait3A_131, %dma_wait3A_132] : memref<301056x128xf32, #tpu.memory_space<hbm>> -> memref<96x128xf32, #tpu.memory_space<hbm>>
    %dma_wait3A_134 = arith.constant 0 : i32
    %dma_wait3A_135 = arith.constant 0 : i32
    %dma_wait3A_136 = tpu.memref_slice %arg4[%dma_wait3A_134, %dma_wait3A_135] : memref<301056x128xf32, #tpu.memory_space<hbm>> -> memref<96x128xf32, #tpu.memory_space<hbm>>
    %dma_wait3A_137 = arith.constant 0 : i32
    %dma_wait3A_138 = arith.constant 0 : i32
    %dma_wait3A_139 = tpu.memref_slice %arg8[%dma_wait3A, %dma_wait3A_137, %dma_wait3A_138] : memref<2x96x128xf32, #tpu.memory_space<vmem>> -> memref<1x96x128xf32, #tpu.memory_space<vmem>>
    %dma_wait3A_140 = tpu.memref_squeeze %dma_wait3A_139 : memref<1x96x128xf32, #tpu.memory_space<vmem>> -> memref<96x128xf32, #tpu.memory_space<vmem>>
    tpu.wait_dma2 semaphore(%arg12 : memref<!tpu.dma_semaphore, #tpu.memory_space<semaphore_mem>>) src(%dma_wait3A_140 : memref<96x128xf32, #tpu.memory_space<vmem>>) dst(%dma_wait3A_136 : memref<96x128xf32, #tpu.memory_space<hbm>>)
    %dma_wait3A_141 = arith.constant 0 : i32
    %dma_wait3A_142 = arith.constant 0 : i32
    %dma_wait3A_143 = arith.constant 0 : i32
    %dma_wait3A_144 = tpu.memref_slice %arg9[%dma_wait3A_141, %dma_wait3A_142, %dma_wait3A_143] : memref<2x96x128xf32, #tpu.memory_space<vmem>> -> memref<1x96x128xf32, #tpu.memory_space<vmem>>
    %dma_wait3A_145 = tpu.memref_squeeze %dma_wait3A_144 : memref<1x96x128xf32, #tpu.memory_space<vmem>> -> memref<96x128xf32, #tpu.memory_space<vmem>>
    %dma_wait3A_146 = arith.constant 0 : i32
    %dma_wait3A_147 = arith.constant 0 : i32
    %dma_wait3A_148 = tpu.memref_slice %arg5[%dma_wait3A_146, %dma_wait3A_147] : memref<301056x128xf32, #tpu.memory_space<hbm>> -> memref<96x128xf32, #tpu.memory_space<hbm>>
    %dma_wait3A_149 = arith.constant 0 : i32
    %dma_wait3A_150 = arith.constant 0 : i32
    %dma_wait3A_151 = tpu.memref_slice %arg5[%dma_wait3A_149, %dma_wait3A_150] : memref<301056x128xf32, #tpu.memory_space<hbm>> -> memref<96x128xf32, #tpu.memory_space<hbm>>
    %dma_wait3A_152 = arith.constant 0 : i32
    %dma_wait3A_153 = arith.constant 0 : i32
    %dma_wait3A_154 = tpu.memref_slice %arg9[%dma_wait3A_141, %dma_wait3A_152, %dma_wait3A_153] : memref<2x96x128xf32, #tpu.memory_space<vmem>> -> memref<1x96x128xf32, #tpu.memory_space<vmem>>
    %dma_wait3A_155 = tpu.memref_squeeze %dma_wait3A_154 : memref<1x96x128xf32, #tpu.memory_space<vmem>> -> memref<96x128xf32, #tpu.memory_space<vmem>>
    tpu.wait_dma2 semaphore(%arg12 : memref<!tpu.dma_semaphore, #tpu.memory_space<semaphore_mem>>) src(%dma_wait3A_155 : memref<96x128xf32, #tpu.memory_space<vmem>>) dst(%dma_wait3A_151 : memref<96x128xf32, #tpu.memory_space<hbm>>)
    %dma_wait3A_156 = arith.constant 1 : i32
    %dma_wait3A_157 = arith.constant 0 : i32
    %dma_wait3A_158 = arith.constant 0 : i32
    %dma_wait3A_159 = tpu.memref_slice %arg8[%dma_wait3A_156, %dma_wait3A_157, %dma_wait3A_158] : memref<2x96x128xf32, #tpu.memory_space<vmem>> -> memref<1x96x128xf32, #tpu.memory_space<vmem>>
    %dma_wait3A_160 = tpu.memref_squeeze %dma_wait3A_159 : memref<1x96x128xf32, #tpu.memory_space<vmem>> -> memref<96x128xf32, #tpu.memory_space<vmem>>
    %dma_wait3A_161 = arith.constant 0 : i32
    %dma_wait3A_162 = arith.constant 0 : i32
    %dma_wait3A_163 = tpu.memref_slice %arg4[%dma_wait3A_161, %dma_wait3A_162] : memref<301056x128xf32, #tpu.memory_space<hbm>> -> memref<96x128xf32, #tpu.memory_space<hbm>>
    %dma_wait3A_164 = arith.constant 0 : i32
    %dma_wait3A_165 = arith.constant 0 : i32
    %dma_wait3A_166 = tpu.memref_slice %arg4[%dma_wait3A_164, %dma_wait3A_165] : memref<301056x128xf32, #tpu.memory_space<hbm>> -> memref<96x128xf32, #tpu.memory_space<hbm>>
    %dma_wait3A_167 = arith.constant 0 : i32
    %dma_wait3A_168 = arith.constant 0 : i32
    %dma_wait3A_169 = tpu.memref_slice %arg8[%dma_wait3A_156, %dma_wait3A_167, %dma_wait3A_168] : memref<2x96x128xf32, #tpu.memory_space<vmem>> -> memref<1x96x128xf32, #tpu.memory_space<vmem>>
    %dma_wait3A_170 = tpu.memref_squeeze %dma_wait3A_169 : memref<1x96x128xf32, #tpu.memory_space<vmem>> -> memref<96x128xf32, #tpu.memory_space<vmem>>
    tpu.wait_dma2 semaphore(%arg13 : memref<!tpu.dma_semaphore, #tpu.memory_space<semaphore_mem>>) src(%dma_wait3A_170 : memref<96x128xf32, #tpu.memory_space<vmem>>) dst(%dma_wait3A_166 : memref<96x128xf32, #tpu.memory_space<hbm>>)
    %dma_wait3A_171 = arith.constant 1 : i32
    %dma_wait3A_172 = arith.constant 0 : i32
    %dma_wait3A_173 = arith.constant 0 : i32
    %dma_wait3A_174 = tpu.memref_slice %arg9[%dma_wait3A_171, %dma_wait3A_172, %dma_wait3A_173] : memref<2x96x128xf32, #tpu.memory_space<vmem>> -> memref<1x96x128xf32, #tpu.memory_space<vmem>>
    %dma_wait3A_175 = tpu.memref_squeeze %dma_wait3A_174 : memref<1x96x128xf32, #tpu.memory_space<vmem>> -> memref<96x128xf32, #tpu.memory_space<vmem>>
    %dma_wait3A_176 = arith.constant 0 : i32
    %dma_wait3A_177 = arith.constant 0 : i32
    %dma_wait3A_178 = tpu.memref_slice %arg5[%dma_wait3A_176, %dma_wait3A_177] : memref<301056x128xf32, #tpu.memory_space<hbm>> -> memref<96x128xf32, #tpu.memory_space<hbm>>
    %dma_wait3A_179 = arith.constant 0 : i32
    %dma_wait3A_180 = arith.constant 0 : i32
    %dma_wait3A_181 = tpu.memref_slice %arg5[%dma_wait3A_179, %dma_wait3A_180] : memref<301056x128xf32, #tpu.memory_space<hbm>> -> memref<96x128xf32, #tpu.memory_space<hbm>>
    %dma_wait3A_182 = arith.constant 0 : i32
    %dma_wait3A_183 = arith.constant 0 : i32
    %dma_wait3A_184 = tpu.memref_slice %arg9[%dma_wait3A_171, %dma_wait3A_182, %dma_wait3A_183] : memref<2x96x128xf32, #tpu.memory_space<vmem>> -> memref<1x96x128xf32, #tpu.memory_space<vmem>>
    %dma_wait3A_185 = tpu.memref_squeeze %dma_wait3A_184 : memref<1x96x128xf32, #tpu.memory_space<vmem>> -> memref<96x128xf32, #tpu.memory_space<vmem>>
    tpu.wait_dma2 semaphore(%arg13 : memref<!tpu.dma_semaphore, #tpu.memory_space<semaphore_mem>>) src(%dma_wait3A_185 : memref<96x128xf32, #tpu.memory_space<vmem>>) dst(%dma_wait3A_181 : memref<96x128xf32, #tpu.memory_space<hbm>>)
    return
  }
}

</mosaic_0001>

<sc_bundles>
// kernel: kernel.3.cloned.1.call-start
scs
__scs_entry_jumppad:
0x0: {  	(pc) =	sbr.rel $0x88, $3  }
0x1: {  	(tag) =	ssettag $0x0;
	lr =	simm.s32 $0x1  }
0x2: {  	[smem:$0x3F9F] =	sst lr;
	_ =	strace $0xD0000000  }
0x3: {  	_ = 	snop  }
0x4: {  	_ = 	snop  }
0x5: {  	_ = 	snop  }
0x6: {  	_ = 	snop  }
0x7: {  	_ = 	snop  }
__scs_overlays_trampoline_lowered:
0x8: {  	[smem:$0x3FAE] =	sst s0  }
0x9: {  	[smem:$0x3FAF] =	sst s1  }
0xa: {  	[smem:$0x3FB0] =	sst s2  }
0xb: {  	[smem:$0x3FB1] =	sst s3  }
0xc: {  	[smem:$0x3FB2] =	sst s4  }
0xd: {  	[smem:$0x3FB3] =	sst s5  }
0xe: {  	[smem:$0x3FB4] =	sst s6  }
0xf: {  	[smem:$0x3FB5] =	sst s7  }
0x10: {  	[smem:$0x3FB6] =	sst s8  }
0x11: {  	[smem:$0x3FB7] =	sst s9;
	s0 =	simm.s32 @!p0 $0x0  }
0x12: {  	s1 =	sld [smem:$0x3F9D];
	s0 =	simm.s32 @p0 $0x1  }
0x13: {  	[smem:$0x3FB8] =	sst s0;
	s0 =	simm.s32 @!p1 $0x0  }
0x14: {  	s2 =	sld [smem:$0x3F9C];
	s0 =	simm.s32 @p1 $0x1  }
0x15: {  	[smem:$0x3FB9] =	sst s0;
	s0 =	simm.s32 @!p2 $0x0  }
0x16: {  	s3 =	sld [smem:$0x3FDB];
	s0 =	simm.s32 @p2 $0x1  }
0x17: {  	s4 =	simm.s32 $0x1BF5;
	[smem:$0x3FBB] =	sst s0  }
0x18: {  	s0 =	sld [smem:$0x3F9E];
	_ =	swait.ge [sflag:s4], $0x0  }
0x19: {  	s7 =	sld [smem:$0x3F9F]  }
0x1a: {  	s8 =	sadd.s32 $0xFFFFE003, lr  }
0x1b: {  	s9 =	sadd.s32 $0xFFFFFEF7, lr;
	s5 =	simm.s32 $0xFFFFFFFF;
	p2 =	slt.u32 s8, $0xFFFFF086  }
0x1c: {  	p1 =	slt.u32 s9, $0xF7A;
	s5 =	simm.s32 @!p2 $0x0  }
0x1d: {  	s5 =	simm.s32 @p1 $0x1;
	p0 =	seq.s32 s7, s2  }
0x1e: {  	s7 =	smul.u32 @!p0 $0xF7A, s2;
	p2 =	seq.s32 @!p0 s5, $0x0  }
0x1f: {  	s9 =	smul.u32 $0xF7A, s1;
	s8 =	simm.s32 @!p0 $0x1BF5;
	p2 =	por !p2, p0  }
0x20: {  	[sflag:s8] =	ssyncset.s32 @!p0 $0xFFFFF086;
	s6 =	sadd.s32 @!p0 s3, s7;
	s7 =	simm.s32 @!p0 $0x108  }
0x21: {  	s3 =	sadd.s32 s3, s9;
	s6 =	sadd.s32 @!p0 $0x88, s6;
	s7 =	simm.s32 @p2 $0x1082  }
0x22: {  	[simem:s7], [sflag:s8] =	dma.local @!p0 [hbm:s6], $0xF7A  }
0x23: {  	s9 =	sor.u32 $0xD0000000, s2;
	s6 =	simm.s32 $0x108;
	_ =	swait.ge @!p0 [sflag:s8], $0x0  }
0x24: {  	s3 =	sadd.s32 $0x88, s3;
	s6 =	simm.s32 @!p1 $0x1082;
	[sflag:s4] =	ssyncset.s32 $0xFFFFF086  }
0x25: {  	[simem:s6], [sflag:s4] =	dma.local [hbm:s3], $0xF7A  }
0x26: {  	[smem:$0x3F9F] =	sst s1;
	(tag) =	ssettag s2;
	_ =	strace s9  }
0x27: {  	s1 =	sld [smem:$0x3FAF]  }
0x28: {  	s2 =	sld [smem:$0x3FB0]  }
0x29: {  	s4 =	sld [smem:$0x3FB2]  }
0x2a: {  	p0 =	seq.s32 s5, $0x0;
	s5 =	sld [smem:$0x3FB3]  }
0x2b: {  	s6 =	sld [smem:$0x3FB4]  }
0x2c: {  	s7 =	sld [smem:$0x3FB5]  }
0x2d: {  	s3 =	simm.s32 $0x108;
	s8 =	sld [smem:$0x3FB6]  }
0x2e: {  	s3 =	simm.s32 @!p0 $0x1082;
	s9 =	sld [smem:$0x3FB7]  }
0x2f: {  	lr =	sadd.s32 s0, s3;
	s0 =	sld [smem:$0x3FAE]  }
0x30: {  	s3 =	sld [smem:$0x3FB1]  }
0x31: {  	[smem:$0x3FBA] =	sst s10  }
0x32: {  	s10 =	sld [smem:$0x3FB8];
	_ =	sdelay $0x3  }
0x33: {  	p0 =	seq.s32 s10, $0x1;
	s10 =	sld [smem:$0x3FBA];
	_ =	sdelay $0x3  }
0x34: {  	[smem:$0x3FBA] =	sst s10  }
0x35: {  	s10 =	sld [smem:$0x3FB9];
	_ =	sdelay $0x3  }
0x36: {  	p1 =	seq.s32 s10, $0x1;
	s10 =	sld [smem:$0x3FBA];
	_ =	sdelay $0x3  }
0x37: {  	[smem:$0x3FBA] =	sst s10  }
0x38: {  	s10 =	sld [smem:$0x3FBB]  }
0x39: {  	_ = 	snop;
	(pc) =	sbr.ind lr, $3  }
0x3a: {  	_ = 	snop  }
0x3b: {  	_ = 	snop  }
0x3c: {  	p2 =	seq.s32 s10, $0x1;
	s10 =	sld [smem:$0x3FBA]  }
0x3d: {  	_ =	shalt  }
0x3e: {  	_ =	shalt  }
0x3f: {  	_ =	shalt  }
0x40: {  	_ =	shalt  }
0x41: {  	_ =	shalt  }
0x42: {  	_ =	shalt  }
0x43: {  	_ =	shalt  }
0x44: {  	_ =	shalt  }
0x45: {  	_ =	shalt  }
0x46: {  	_ =	shalt  }
0x47: {  	_ =	shalt  }
0x48: {  	_ =	shalt  }
0x49: {  	_ =	shalt  }
0x4a: {  	_ =	shalt  }
0x4b: {  	_ =	shalt  }
0x4c: {  	_ =	shalt  }
0x4d: {  	_ =	shalt  }
0x4e: {  	_ =	shalt  }
0x4f: {  	_ =	shalt  }
0x50: {  	_ =	shalt  }
0x51: {  	_ =	shalt  }
0x52: {  	_ =	shalt  }
0x53: {  	_ =	shalt  }
0x54: {  	_ =	shalt  }
0x55: {  	_ =	shalt  }
0x56: {  	_ =	shalt  }
0x57: {  	_ =	shalt  }
0x58: {  	_ =	shalt  }
0x59: {  	_ =	shalt  }
0x5a: {  	_ =	shalt  }
0x5b: {  	_ =	shalt  }
0x5c: {  	_ =	shalt  }
0x5d: {  	_ =	shalt  }
0x5e: {  	_ =	shalt  }
0x5f: {  	_ =	shalt  }
0x60: {  	_ =	shalt  }
0x61: {  	_ =	shalt  }
0x62: {  	_ =	shalt  }
0x63: {  	_ =	shalt  }
0x64: {  	_ =	shalt  }
0x65: {  	_ =	shalt  }
0x66: {  	_ =	shalt  }
0x67: {  	_ =	shalt  }
0x68: {  	_ =	shalt  }
0x69: {  	_ =	shalt  }
0x6a: {  	_ =	shalt  }
0x6b: {  	_ =	shalt  }
0x6c: {  	_ =	shalt  }
0x6d: {  	_ =	shalt  }
0x6e: {  	_ =	shalt  }
0x6f: {  	_ =	shalt  }
0x70: {  	_ =	shalt  }
0x71: {  	_ =	shalt  }
0x72: {  	_ =	shalt  }
0x73: {  	_ =	shalt  }
0x74: {  	_ =	shalt  }
0x75: {  	_ =	shalt  }
0x76: {  	_ =	shalt  }
0x77: {  	_ =	shalt  }
0x78: {  	_ =	shalt  }
0x79: {  	_ =	shalt  }
0x7a: {  	_ =	shalt  }
0x7b: {  	_ =	shalt  }
0x7c: {  	_ =	shalt  }
0x7d: {  	_ =	shalt  }
0x7e: {  	_ =	shalt  }
0x7f: {  	_ =	shalt  }
0x80: {  	_ =	shalt  }
0x81: {  	_ =	shalt  }
0x82: {  	_ =	shalt  }
0x83: {  	_ =	shalt  }
0x84: {  	_ =	shalt  }
0x85: {  	_ =	shalt  }
0x86: {  	_ =	shalt  }
0x87: {  	_ =	shalt  }
.Lfunc_end0:
.L_simem_size_0:
called_computation_lowered:
.L_overlay_start_0:
0x88: {  	s2 =	sld [smem:$0x3FD9]  }
0x89: {  	s3 =	sld [smem:$0x3FFE];
	_ =	sdelay $0x1  }
0x8a: {  	s1 =	srdreg.scid  }
0x8b: {  	s0 =	sand.u32 $0x1, s1  }
0x8c: {  	s14 =	sshll.u32 s0, $0xA;
	s2 =	sadd.s32 s3, s2  }
0x8d: {  	s2 =	sadd.s32 s2, s14  }
0x8e: {  	[smem:$0x3FC6] =	sst s2  }
0x8f: {  	_ = 	snop  }
0x90: {  	s2 =	sld [smem:$0x3FD0];
	_ =	sdelay $0x2  }
0x91: {  	s15 =	simm.s32 $0xA;
	s4 =	simm.s32 $0x10  }
0x92: {  	[smem:s4], [sflag:s15] =	dma.local [hbm:s2], $0x1  }
0x93: {  	_ =	swait.eq [sflag:s15], $0x1  }
0x94: {  	[sflag:s15] =	ssyncset.done $0x0  }
0x95: {  	[sflag:s15] =	ssyncadd.s32 $0xFFFFFFFF  }
0x96: {  	s16 =	sld [smem:$0x11];
	(tm) =	ssettm $0x1  }
0x97: {  	s17 =	sld [smem:$0x3FFB];
	_ =	sdelay $0x3  }
0x98: {  	_ =	strace s17  }
0x99: {  	s3 =	sld [smem:$0x3FFC];
	_ =	sdelay $0x3  }
0x9a: {  	_ =	strace s3  }
0x9b: {  	s3 =	sld [smem:$0x3FFD];
	_ =	sdelay $0x3  }
0x9c: {  	_ =	strace s3  }
0x9d: {  	_ =	strace $0x8FFFFFFF  }
0x9e: {  	s18 =	sld [smem:$0x3FDB];
	_ =	sdelay $0x1  }
0x9f: {  	s19 =	simm.s32 $_scs_section_size  }
0xa0: {  	s5 =	simm.s32 $_size__tile_overlayer_lowered;
	s6 =	simm.s32 $_tile_overlayer_lowered  }
0xa1: {  	s22 =	simm.s32 $0x1BFF;
	s21 =	sshll.u32 s6, $0x1;
	s3 =	sadd.s32 s19, s18  }
0xa2: {  	s7 =	simm.s32 $0x0;
	s20 =	sshll.u32 s5, $0x1;
	s5 =	sadd.s32 s21, s3  }
0xa3: {  	[timem:s7], [sflag:s22] =	dma.local [hbm:s5], s20  }
0xa4: {  	_ =	swait.ge [sflag:s22], s20  }
0xa5: {  	s4 =	ssub.s32 $0x0, s20;
	[sflag:s22] =	ssyncset.done $0x0  }
0xa6: {  	[sflag:s22] =	ssyncadd.s32 s4;
	_ =	sdelay $0x1  }
0xa7: {  	s23 =	simm.s32 $0x1B8B  }
0xa8: {  	_ =	swait.ge [sflag:s23], $0x1  }
0xa9: {  	[sflag:s23] =	ssyncset.done $0x0  }
0xaa: {  	s25 =	simm.s32 $0x1B8E;
	s24 =	sld [smem:$0x3FFE];
	[sflag:s23] =	ssyncadd.s32 $0xFFFFFFFF  }
0xab: {  	s26 =	simm.s32 $execute0_lowered;
	[smem:$0x3FD2] =	sst s25  }
0xac: {  	s5 =	sshll.u32 s26, $0x1;
	_ =	strace $0x80000046;
	[dreg:$0x1] =	wrdreg $0xFFFFFFFF  }
0xad: {  	s28 =	simm.s32 $_size_execute0_lowered;
	s3 =	sadd.s32 s3, s5;
	[dreg:$0x0] =	wrdreg $0x0  }
0xae: {  	s5 =	sshll.u32 s28, $0x1;
	[dreg:$0x2] =	wrdreg s3  }
0xaf: {  	[dreg:$0x3] =	wrdreg s5  }
0xb0: {  	[dreg:$0x4] =	wrdreg $0xC0  }
0xb1: {  	_ =	task [dreg:s7], $0x5FFFF  }
0xb2: {  	[dreg:$0x1] =	wrdreg $0xFFFFFFFF  }
0xb3: {  	[dreg:$0x0] =	wrdreg $0x60  }
0xb4: {  	[dreg:$0x2] =	wrdreg s24  }
0xb5: {  	[dreg:$0x3] =	wrdreg s16  }
0xb6: {  	[dreg:$0x4] =	wrdreg $0x9  }
0xb7: {  	_ =	task.clear_ibuf [dreg:s7], $0x5FFFF;
	_ =	strace $0x90000046  }
0xb8: {  	s29 =	simm.s32 $0x9;
	_ =	strace $0x80000048  }
0xb9: {  	_ =	swait.ge [sflag:s29], $0x1  }
0xba: {  	[sflag:s29] =	ssyncadd.s32 $0xFFFFFFFF  }
0xbb: {  	_ =	strace $0x90000048  }
0xbc: {  	_ =	sfence  }
0xbd: {  	s30 =	sld [smem:$0x0];
	_ =	sdelay $0x2  }
0xbe: {  	s31 =	sshll.u32 s1, $0xD;
	s1 =	sshrl.u32 s1, $0x2  }
0xbf: {  	s3 =	sand.u32 $0x4000, s31;
	s1 =	sadd.s32 s1, s30  }
0xc0: {  	s0 =	sor.u32 s3, s0;
	s1 =	sshll.u32 s1, $0x11  }
0xc1: {  	s0 =	sor.u32 s1, s0  }
0xc2: {  	s0 =	sadd.s32 $0x8F2B, s0  }
0xc3: {  	[sflag:s0] =	ssyncadd.remote.s32 $0x1  }
0xc4: {  	_ =	sfence.sel $0xFFFF  }
0xc5: {  	[dreg:$0x0] =	wrdreg $0xFFFFFFFF;
	(pc) =	sbr.abs _section_cstart, $3  }
0xc6: {  	[dreg:$0x1] =	wrdreg $0xFFFFFFFF  }
0xc7: {  	_ =	task.clear_ibuf [dreg:s7], $0x2FFFF;
	_ =	strace $0x9FFFFFFF  }
0xc8: {  	(tm) =	ssettm $0x7FFFFFFF  }
0xc9: {  	_ =	shalt  }
tec
execute0_lowered:
.L_overlay_start_1:
0x0: {  	(tag) =	ssettag $0x1  }
0x1: {  	s0 =	rddreg [dreg:$0x0]  }
0x2: {  	s25 =	rddreg [dreg:$0x1]  }
0x3: {  	s4 =	stileid.u32;
	s3 =	simm.s32 $0x0;
	s1 =	srdreg.scid  }
0x4: {  	s20 =	simm.s32 $0x1;
	s23 =	simm.s32 $0x2;
	s2 =	sshll.u32 s4, $0x1  }
0x5: {  	s1 =	sand.u32 $0x1, s1;
	s8 =	sshrl.u32 s4, $0x1;
	s2 =	sand.u32 $0x2, s2  }
0x6: {  	[smem:$0x7FF] =	sst s3;
	s4 =	smul.u32 $0x620000, s8;
	s2 =	sor.u32 s1, s2  }
0x7: {  	s5 =	sadd.s32 $0x800, s0;
	s6 =	sadd.s32 $0x620800, s0;
	s9 =	smul.u32 $0x188000, s2  }
0x8: {  	s7 =	sadd.s32 $0xC40800, s0;
	s1 =	ssub.s32 $0x2, s1;
	s26 =	smul.u32 $0x3100, s2  }
0x9: {  	_ =	strace $0x80000047;
	s8 =	smul.u32 $0xC400, s8;
	s24 =	sshrl.u32 s1, $0x1  }
0xa: {  	vm0 =	vcmask $0xB08;
	vm1 =	vcmask $0x300;
	s0 =	ssub.s32 s1, s24;
	s9 =	sadd.s32 s4, s9;
	s31 =	sadd.s32 $0x100, s26  }
0xb: {  	vm0 =	vmor vm1, vm0;
	vm1 =	vcmask $0x1310;
	s1 =	sadd.s32 $0x180, s26;
	s0 =	smax.u32 s0, $0x1;
	[dreg:$0x7] =	wrdreg s31  }
0xc: {  	vm0 =	vmor vm0, vm1;
	vm1 =	vcmask $0x1B18;
	s28 =	sor.u32 $0x4000, s9;
	s9 =	sshrl.u32 s9, $0x3;
	[dreg:$0x8] =	wrdreg s1  }
.Ltmp0:
0xd: {  	vm0 =	vmor vm0, vm1;
	vm1 =	vcmask $0x2320;
	[dreg:$0x9] =	wrdreg s0;
	s10 =	sadd.s32 s5, s9;
	(pc) =	sbr.rel .LBB2_1-.Ltmp0, $4  }
0xe: {  	vm0 =	vmor vm0, vm1;
	vm1 =	vcmask $0x2B28;
	s2 =	sshrl.u32 s28, $0x3;
	s9 =	sadd.s32 s6, s9;
	[dreg:$0x3] =	wrdreg s10  }
0xf: {  	vm0 =	vmor vm0, vm1;
	vm1 =	vcmask $0x3330;
	s30 =	sadd.s32 s8, s26;
	[dreg:$0x4] =	wrdreg s9;
	s29 =	sadd.s32 s5, s2  }
0x10: {  	vm0 =	vmor vm0, vm1;
	vm1 =	vcmask $0x3B38;
	s13 =	smov.u32 s30;
	s2 =	sadd.s32 s6, s2;
	[dreg:$0x5] =	wrdreg s29  }
0x11: {  	s14 =	sor.u32 $0x80, s30;
	vm0 =	vmor vm0, vm1;
	[dreg:$0x6] =	wrdreg s2;
	s2 =	simm.s32 $0x0  }
.LBB2_8:
0x12: {  	s0 =	simm.s32 $0x3  }
0x13: {  	_ =	swait.ge [sflag:s0], $0x3000  }
0x14: {  	[sflag:s0] =	ssyncset.done $0x0  }
0x15: {  	[sflag:s0] =	ssyncadd.s32 $0xFFFFD000  }
0x16: {  	_ =	swait.ge [sflag:s0], $0x3000  }
0x17: {  	[sflag:s0] =	ssyncset.done $0x0  }
0x18: {  	s1 =	simm.s32 $0x4;
	[sflag:s0] =	ssyncadd.s32 $0xFFFFD000  }
0x19: {  	_ =	swait.ge [sflag:s1], $0x3000  }
0x1a: {  	[sflag:s1] =	ssyncset.done $0x0  }
0x1b: {  	[sflag:s1] =	ssyncadd.s32 $0xFFFFD000  }
0x1c: {  	_ =	swait.ge [sflag:s1], $0x3000  }
0x1d: {  	s2 =	rddreg [dreg:$0xa]  }
0x1e: {  	s31 =	rddreg [dreg:$0x9];
	s2 =	sadd.s32 $0x1, s2  }
0x1f: {  	p0 =	sne.s32 s2, s31  }
.Ltmp1:
0x20: {  	_ = 	snop;
	(pc) =	sbr.rel @!p0 .LBB2_9-.Ltmp1, $3  }
0x21: {  	_ =	sdelay $0x1  }
0x22: {  	[sflag:s1] =	ssyncset.done $0x0  }
0x23: {  	[sflag:s1] =	ssyncadd.s32 $0xFFFFD000  }
.LBB2_1:
0x24: {  	[dreg:$0xa] =	wrdreg s2  }
0x25: {  	s0 =	rddreg [dreg:$0x3]  }
0x26: {  	[tilespmem:s3], [sflag:$0x1] =	stream.linear.gather [hbm4b:s0+s3], $0x4000, $0x38;
	[tilespmem:$0x1C000] =	vst v63  }
0x27: {  	s12 =	smov.u32 s25;
	s25 =	rddreg [dreg:$0x4];
	s1 =	simm.s32 $0x8000  }
0x28: {  	[tilespmem:s1], [sflag:$0x1] =	stream.linear.gather [hbm4b:s25+s3], $0x4000, $0x38;
	[tilespmem:$0x1C000] =	vst v63  }
0x29: {  	s26 =	rddreg [dreg:$0x5];
	s28 =	simm.s32 $0x4000  }
0x2a: {  	[tilespmem:s28], [sflag:$0x2] =	stream.linear.gather [hbm4b:s26+s3], $0x4000, $0x38;
	[tilespmem:$0x1C000] =	vst v63  }
0x2b: {  	s29 =	rddreg [dreg:$0x6];
	s31 =	simm.s32 $0xC000;
	s30 =	simm.s32 $0x0  }
0x2c: {  	[tilespmem:s31], [sflag:$0x2] =	stream.linear.gather [hbm4b:s29+s3], $0x4000, $0x38;
	[tilespmem:$0x1C000] =	vst v63  }
.LBB2_2:
0x2d: {  	_ =	swait.ge [sflag:s20], $0x4000  }
0x2e: {  	[sflag:s20] =	ssyncset.done $0x0  }
0x2f: {  	[sflag:s20] =	ssyncadd.s32 $0xFFFFC000  }
0x30: {  	_ =	swait.ge [sflag:s20], $0x4000  }
0x31: {  	p0 =	seq.s32 s30, $0x0;
	[sflag:s20] =	ssyncset.done $0x0  }
0x32: {  	s0 =	simm.s32 @!p0 $0x3;
	[sflag:s20] =	ssyncadd.s32 $0xFFFFC000  }
0x33: {  	_ =	swait.ge @!p0 [sflag:s0], $0x3000  }
0x34: {  	[sflag:s0] =	ssyncset.done @!p0 $0x0  }
0x35: {  	[sflag:s0] =	ssyncadd.s32 @!p0 $0xFFFFD000  }
0x36: {  	_ =	swait.ge @!p0 [sflag:s0], $0x3000  }
0x37: {  	[sflag:s0] =	ssyncset.done @!p0 $0x0  }
0x38: {  	s19 =	simm.s32 $0x80;
	[sflag:s0] =	ssyncadd.s32 @!p0 $0xFFFFD000  }
0x39: {  	s31 =	simm.s32 $0x8080;
	v0 =	vld [tilespmem:s19+$0x0]  }
0x3a: {  	v1 =	vld [tilespmem:s31+$0x0];
	_ =	sdelay $0x4  }
0x3b: {  	s1 =	simm.s32 $0x10060;
	v2 =	vsel vm0, v1, v0  }
0x3c: {  	s0 =	simm.s32 $0x16060;
	v0 =	vsel vm0, v0, v1;
	[tilespmem:s1+$0x0] =	vst v2  }
0x3d: {  	[tilespmem:s0+$0x0] =	vst v0  }
0x3e: {  	v0 =	vld [tilespmem:s19+$0x10]  }
0x3f: {  	v1 =	vld [tilespmem:s31+$0x10];
	_ =	sdelay $0x4  }
0x40: {  	v2 =	vsel vm0, v1, v0  }
0x41: {  	v3 =	vld [tilespmem:s31+$0xFFFFFF80];
	v0 =	vsel vm0, v0, v1;
	[tilespmem:s1+$0x10] =	vst v2  }
0x42: {  	v1 =	vld [tilespmem:s19+$0xFFFFFF80];
	[tilespmem:s0+$0x10] =	vst v0  }
0x43: {  	v0 =	vld [tilespmem:s19+$0x20]  }
0x44: {  	v2 =	vld [tilespmem:s31+$0x20];
	_ =	sdelay $0x1  }
0x45: {  	s9 =	simm.s32 $0x180  }
0x46: {  	s10 =	simm.s32 $0x8180;
	v5 =	vld [tilespmem:s9+$0x0];
	v4 =	vsel vm0, v3, v1  }
0x47: {  	v1 =	vsel vm0, v1, v3;
	v3 =	vld [tilespmem:s10+$0x0];
	[tilespmem:s1+$0xFFFFFFA0] =	vst v4  }
0x48: {  	v7 =	vld [tilespmem:s10+$0xFFFFFF80];
	[tilespmem:s0+$0xFFFFFFA0] =	vst v1;
	v1 =	vsel vm0, v2, v0  }
0x49: {  	v4 =	vld [tilespmem:s19+$0xFFFFFF90];
	v0 =	vsel vm0, v0, v2;
	[tilespmem:s1+$0x20] =	vst v1  }
0x4a: {  	v1 =	vld [tilespmem:s31+$0xFFFFFF90];
	[tilespmem:s0+$0x20] =	vst v0  }
0x4b: {  	v0 =	vld [tilespmem:s19+$0x30]  }
0x4c: {  	s17 =	simm.s32 $0x10120;
	v6 =	vsel vm0, v3, v5;
	v2 =	vld [tilespmem:s31+$0x30]  }
0x4d: {  	s8 =	simm.s32 $0x16120;
	v3 =	vsel vm0, v5, v3;
	v5 =	vld [tilespmem:s9+$0xFFFFFF80];
	[tilespmem:s17+$0x0] =	vst v6  }
0x4e: {  	[tilespmem:s8+$0x0] =	vst v3  }
0x4f: {  	v6 =	vld [tilespmem:s9+$0x10];
	v3 =	vsel vm0, v1, v4  }
0x50: {  	v1 =	vsel vm0, v4, v1;
	[tilespmem:s1+$0xFFFFFFB0] =	vst v3;
	v3 =	vld [tilespmem:s10+$0x10]  }
0x51: {  	[tilespmem:s0+$0xFFFFFFB0] =	vst v1;
	v1 =	vsel vm0, v2, v0  }
0x52: {  	v0 =	vsel vm0, v0, v2;
	v2 =	vsel vm0, v7, v5;
	v4 =	vld [tilespmem:s19+$0xFFFFFFA0];
	[tilespmem:s1+$0x30] =	vst v1  }
0x53: {  	v1 =	vld [tilespmem:s31+$0xFFFFFFA0];
	[tilespmem:s17+$0xFFFFFFA0] =	vst v2  }
0x54: {  	s11 =	simm.s32 $0x8280;
	[tilespmem:s0+$0x30] =	vst v0;
	v0 =	vsel vm0, v5, v7  }
0x55: {  	v9 =	vld [tilespmem:s11+$0x0];
	[tilespmem:s8+$0xFFFFFFA0] =	vst v0;
	v5 =	vsel vm0, v3, v6  }
0x56: {  	v2 =	vld [tilespmem:s19+$0x40];
	v3 =	vsel vm0, v6, v3;
	[tilespmem:s17+$0x10] =	vst v5  }
0x57: {  	v0 =	vld [tilespmem:s31+$0x40];
	[tilespmem:s8+$0x10] =	vst v3  }
0x58: {  	v3 =	vsel vm0, v1, v4;
	v6 =	vld [tilespmem:s9+$0x20]  }
0x59: {  	[tilespmem:s1+$0xFFFFFFC0] =	vst v3;
	v3 =	vld [tilespmem:s10+$0x20]  }
0x5a: {  	v5 =	vld [tilespmem:s9+$0xFFFFFF90];
	v1 =	vsel vm0, v4, v1  }
0x5b: {  	v4 =	vld [tilespmem:s10+$0xFFFFFF90];
	[tilespmem:s0+$0xFFFFFFC0] =	vst v1  }
0x5c: {  	v1 =	vsel vm0, v0, v2;
	v7 =	vld [tilespmem:s19+$0xFFFFFFB0]  }
0x5d: {  	s16 =	simm.s32 $0x280;
	[tilespmem:s1+$0x40] =	vst v1;
	v1 =	vld [tilespmem:s31+$0xFFFFFFB0]  }
0x5e: {  	v0 =	vsel vm0, v2, v0;
	v2 =	vld [tilespmem:s16+$0x0];
	v8 =	vsel vm0, v3, v6  }
0x5f: {  	v3 =	vsel vm0, v6, v3;
	[tilespmem:s17+$0x20] =	vst v8  }
0x60: {  	[tilespmem:s8+$0x20] =	vst v3;
	v3 =	vsel vm0, v4, v5;
	v4 =	vsel vm0, v5, v4;
	v5 =	vld [tilespmem:s11+$0xFFFFFF80]  }
0x61: {  	v8 =	vld [tilespmem:s9+$0x30];
	[tilespmem:s17+$0xFFFFFFB0] =	vst v3  }
0x62: {  	v3 =	vld [tilespmem:s10+$0x30];
	[tilespmem:s8+$0xFFFFFFB0] =	vst v4;
	v4 =	vsel vm0, v1, v7  }
0x63: {  	s28 =	simm.s32 $0x101E0;
	v10 =	vsel vm0, v9, v2;
	[tilespmem:s1+$0xFFFFFFD0] =	vst v4;
	v4 =	vld [tilespmem:s16+$0xFFFFFF80]  }
0x64: {  	[tilespmem:s28+$0x0] =	vst v10;
	v10 =	vld [tilespmem:s9+$0xFFFFFFA0]  }
0x65: {  	s26 =	simm.s32 $0x161E0;
	[tilespmem:s0+$0x40] =	vst v0;
	v2 =	vsel vm0, v2, v9;
	v1 =	vsel vm0, v7, v1;
	v7 =	vld [tilespmem:s10+$0xFFFFFFA0]  }
0x66: {  	v0 =	vld [tilespmem:s19+$0x50];
	[tilespmem:s26+$0x0] =	vst v2  }
0x67: {  	v9 =	vld [tilespmem:s11+$0x10];
	[tilespmem:s0+$0xFFFFFFD0] =	vst v1;
	v2 =	vsel vm0, v3, v8  }
0x68: {  	v1 =	vld [tilespmem:s16+$0x10];
	[tilespmem:s17+$0x30] =	vst v2;
	v2 =	vsel vm0, v8, v3  }
0x69: {  	v6 =	vld [tilespmem:s31+$0x50];
	v8 =	vsel vm0, v5, v4;
	[tilespmem:s8+$0x30] =	vst v2  }
0x6a: {  	v3 =	vld [tilespmem:s19+$0xFFFFFFC0];
	v2 =	vsel vm0, v4, v5;
	v5 =	vsel vm0, v7, v10;
	[tilespmem:s28+$0xFFFFFFA0] =	vst v8  }
0x6b: {  	v4 =	vld [tilespmem:s9+$0x40];
	[tilespmem:s17+$0xFFFFFFC0] =	vst v5  }
0x6c: {  	v7 =	vsel vm0, v10, v7;
	[tilespmem:s26+$0xFFFFFFA0] =	vst v2;
	v2 =	vld [tilespmem:s10+$0x40]  }
0x6d: {  	v10 =	vsel vm0, v9, v1;
	[tilespmem:s8+$0xFFFFFFC0] =	vst v7;
	v7 =	vld [tilespmem:s31+$0xFFFFFFC0]  }
0x6e: {  	v1 =	vsel vm0, v1, v9;
	v9 =	vsel vm0, v6, v0;
	[tilespmem:s28+$0x10] =	vst v10;
	v8 =	vld [tilespmem:s16+$0xFFFFFF90]  }
0x6f: {  	[tilespmem:s1+$0x50] =	vst v9;
	v5 =	vld [tilespmem:s11+$0xFFFFFF90]  }
0x70: {  	v0 =	vsel vm0, v0, v6;
	v10 =	vld [tilespmem:s9+$0xFFFFFFB0];
	[tilespmem:s26+$0x10] =	vst v1  }
0x71: {  	[tilespmem:s0+$0x50] =	vst v0;
	v1 =	vld [tilespmem:s16+$0x20];
	v9 =	vsel vm0, v2, v4  }
0x72: {  	v0 =	vsel vm0, v7, v3;
	[tilespmem:s17+$0x40] =	vst v9;
	v9 =	vld [tilespmem:s11+$0x20]  }
0x73: {  	s29 =	simm.s32 $0x380;
	v2 =	vsel vm0, v4, v2;
	v4 =	vld [tilespmem:s10+$0xFFFFFFB0];
	[tilespmem:s1+$0xFFFFFFE0] =	vst v0  }
0x74: {  	v3 =	vsel vm0, v3, v7;
	v0 =	vld [tilespmem:s29+$0x0];
	[tilespmem:s8+$0x40] =	vst v2  }
0x75: {  	v2 =	vsel vm0, v5, v8;
	[tilespmem:s0+$0xFFFFFFE0] =	vst v3;
	v3 =	vld [tilespmem:s29+$0xFFFFFF80]  }
0x76: {  	v5 =	vsel vm0, v8, v5;
	[tilespmem:s28+$0xFFFFFFB0] =	vst v2;
	v2 =	vld [tilespmem:s9+$0x50]  }
0x77: {  	s18 =	simm.s32 $0x8380;
	[tilespmem:s26+$0xFFFFFFB0] =	vst v5;
	v5 =	vld [tilespmem:s10+$0x50];
	v8 =	vsel vm0, v9, v1  }
0x78: {  	v1 =	vsel vm0, v1, v9;
	[tilespmem:s28+$0x20] =	vst v8;
	v8 =	vld [tilespmem:s18+$0x0]  }
0x79: {  	v6 =	vld [tilespmem:s16+$0xFFFFFFA0];
	v9 =	vsel vm0, v4, v10;
	[tilespmem:s26+$0x20] =	vst v1  }
0x7a: {  	v4 =	vsel vm0, v10, v4;
	[tilespmem:s17+$0xFFFFFFD0] =	vst v9;
	v9 =	vld [tilespmem:s16+$0x30]  }
0x7b: {  	[tilespmem:s8+$0xFFFFFFD0] =	vst v4;
	v4 =	vld [tilespmem:s11+$0x30]  }
0x7c: {  	v10 =	vld [tilespmem:s11+$0xFFFFFFA0];
	v7 =	vsel vm0, v5, v2  }
0x7d: {  	s24 =	simm.s32 $0x102A0;
	v1 =	vld [tilespmem:s18+$0xFFFFFF80];
	[tilespmem:s17+$0x50] =	vst v7;
	v7 =	vsel vm0, v8, v0  }
0x7e: {  	s25 =	simm.s32 $0x162A0;
	v11 =	vld [tilespmem:s10+$0xFFFFFFC0];
	v0 =	vsel vm0, v0, v8;
	[tilespmem:s24+$0x0] =	vst v7  }
0x7f: {  	v2 =	vsel vm0, v2, v5;
	v8 =	vld [tilespmem:s9+$0xFFFFFFC0];
	[tilespmem:s25+$0x0] =	vst v0  }
0x80: {  	[tilespmem:s8+$0x50] =	vst v2;
	v0 =	vsel vm0, v4, v9;
	v2 =	vld [tilespmem:s29+$0x10]  }
0x81: {  	v5 =	vld [tilespmem:s18+$0x10];
	[tilespmem:s28+$0x30] =	vst v0;
	v0 =	vsel vm0, v9, v4  }
0x82: {  	v4 =	vsel vm0, v1, v3;
	[tilespmem:s26+$0x30] =	vst v0;
	v0 =	vld [tilespmem:s19+$0xFFFFFFD0]  }
0x83: {  	v1 =	vsel vm0, v3, v1;
	[tilespmem:s24+$0xFFFFFFA0] =	vst v4;
	v3 =	vld [tilespmem:s16+$0x40]  }
0x84: {  	v4 =	vsel vm0, v10, v6;
	[tilespmem:s25+$0xFFFFFFA0] =	vst v1;
	v1 =	vld [tilespmem:s11+$0x40]  }
0x85: {  	v6 =	vsel vm0, v6, v10;
	[tilespmem:s28+$0xFFFFFFC0] =	vst v4;
	v9 =	vld [tilespmem:s29+$0xFFFFFF90]  }
0x86: {  	v4 =	vld [tilespmem:s18+$0xFFFFFF90];
	[tilespmem:s26+$0xFFFFFFC0] =	vst v6;
	v7 =	vsel vm0, v5, v2  }
0x87: {  	v10 =	vld [tilespmem:s16+$0xFFFFFFB0];
	v2 =	vsel vm0, v2, v5;
	[tilespmem:s24+$0x10] =	vst v7  }
0x88: {  	v12 =	vld [tilespmem:s11+$0xFFFFFFB0];
	v5 =	vsel vm0, v11, v8;
	[tilespmem:s25+$0x10] =	vst v2  }
0x89: {  	[tilespmem:s17+$0xFFFFFFE0] =	vst v5;
	v2 =	vsel vm0, v1, v3;
	v6 =	vld [tilespmem:s29+$0x20]  }
0x8a: {  	v1 =	vsel vm0, v3, v1;
	[tilespmem:s28+$0x40] =	vst v2;
	v7 =	vld [tilespmem:s18+$0x20]  }
0x8b: {  	v2 =	vsel vm0, v4, v9;
	[tilespmem:s26+$0x40] =	vst v1;
	v1 =	vld [tilespmem:s31+$0xFFFFFFD0]  }
0x8c: {  	v4 =	vsel vm0, v9, v4;
	[tilespmem:s24+$0xFFFFFFB0] =	vst v2;
	v3 =	vld [tilespmem:s16+$0x50]  }
0x8d: {  	s2 =	simm.s32 $0x6;
	s15 =	simm.s32 $0x480;
	s22 =	simm.s32 $0x8380;
	v9 =	vsel vm0, v12, v10;
	[tilespmem:s25+$0xFFFFFFB0] =	vst v4;
	v5 =	vld [tilespmem:s11+$0x50]  }
0x8e: {  	s21 =	simm.s32 $0x162A0;
	s19 =	simm.s32 $0x102A0;
	s31 =	sshll.u32 s30, $0x8;
	v2 =	vsel vm0, v8, v11;
	v8 =	vsel vm0, v10, v12;
	[tilespmem:s28+$0xFFFFFFD0] =	vst v9;
	v4 =	vld [tilespmem:s29+$0xFFFFFFA0]  }
.LBB2_3:
0x8f: {  	v9 =	vld [tilespmem:s15+$0x0];
	v10 =	vsel vm0, v7, v6;
	s18 =	sadd.s32 $0x100, s18;
	[tilespmem:s26+$0xFFFFFFD0] =	vst v8  }
0x90: {  	v6 =	vsel vm0, v6, v7;
	v8 =	vld [tilespmem:s18+$0x0];
	[tilespmem:s24+$0x20] =	vst v10;
	v7 =	vsel vm0, v1, v0;
	v0 =	vsel vm0, v0, v1  }
0x91: {  	v1 =	vld [tilespmem:s18+$0xFFFFFF80];
	[tilespmem:s25+$0x20] =	vst v6  }
0x92: {  	v6 =	vld [tilespmem:s29+$0x30];
	v10 =	vsel vm0, v5, v3;
	[tilespmem:s8+$0xFFFFFFE0] =	vst v2  }
0x93: {  	v3 =	vsel vm0, v3, v5;
	v2 =	vld [tilespmem:s22+$0x30];
	[tilespmem:s28+$0x50] =	vst v10  }
0x94: {  	v5 =	vld [tilespmem:s15+$0xFFFFFF80];
	[tilespmem:s26+$0x50] =	vst v3  }
0x95: {  	s24 =	sadd.s32 $0xC0, s24;
	v3 =	vsel vm0, v8, v9;
	v10 =	vld [tilespmem:s22+$0xFFFFFFA0];
	[tilespmem:s1+$0xFFFFFFF0] =	vst v7;
	s1 =	smov.u32 s17;
	s17 =	smov.u32 s28  }
0x96: {  	s25 =	sadd.s32 $0xC0, s25;
	s28 =	smov.u32 s19;
	s19 =	smov.u32 s24;
	[tilespmem:s24+$0x0] =	vst v3;
	v3 =	vsel vm0, v9, v8;
	v7 =	vld [tilespmem:s16+$0xFFFFFFC0]  }
0x97: {  	[tilespmem:s25+$0x0] =	vst v3;
	v3 =	vld [tilespmem:s11+$0xFFFFFFC0]  }
0x98: {  	v8 =	vld [tilespmem:s15+$0x10];
	v9 =	vsel vm0, v2, v6;
	[tilespmem:s0+$0xFFFFFFF0] =	vst v0;
	s0 =	smov.u32 s8;
	s8 =	smov.u32 s26;
	s26 =	smov.u32 s21  }
0x99: {  	v0 =	vsel vm0, v6, v2;
	s21 =	smov.u32 s25;
	v11 =	vsel vm0, v1, v5;
	v1 =	vsel vm0, v5, v1;
	v5 =	vld [tilespmem:s18+$0x10];
	[tilespmem:s28+$0x30] =	vst v9  }
0x9a: {  	v6 =	vsel vm0, v10, v4;
	v4 =	vsel vm0, v4, v10;
	[tilespmem:s26+$0x30] =	vst v0;
	v0 =	vld [tilespmem:s9+$0xFFFFFFD0];
	s9 =	smov.u32 s16;
	s16 =	smov.u32 s29;
	s29 =	smov.u32 s15  }
0x9b: {  	s2 =	sadd.s32 $0x2, s2;
	[tilespmem:s24+$0xFFFFFFA0] =	vst v11;
	v9 =	vld [tilespmem:s16+$0x40]  }
0x9c: {  	p1 =	slt.u32 s2, $0x7E;
	[tilespmem:s25+$0xFFFFFFA0] =	vst v1;
	v1 =	vld [tilespmem:s22+$0x40];
	v10 =	vsel vm0, v3, v7;
	v2 =	vsel vm0, v7, v3  }
0x9d: {  	v3 =	vld [tilespmem:s15+$0xFFFFFF90];
	[tilespmem:s28+$0xFFFFFFC0] =	vst v6  }
0x9e: {  	v11 =	vld [tilespmem:s18+$0xFFFFFF90];
	v6 =	vsel vm0, v5, v8;
	[tilespmem:s26+$0xFFFFFFC0] =	vst v4  }
0x9f: {  	v4 =	vsel vm0, v8, v5;
	[tilespmem:s24+$0x10] =	vst v6;
	v5 =	vld [tilespmem:s16+$0xFFFFFFB0]  }
0xa0: {  	[tilespmem:s25+$0x10] =	vst v4;
	v4 =	vld [tilespmem:s22+$0xFFFFFFB0]  }
0xa1: {  	v6 =	vld [tilespmem:s15+$0x20];
	v8 =	vsel vm0, v1, v9;
	[tilespmem:s17+$0xFFFFFFE0] =	vst v10  }
.Ltmp2:
0xa2: {  	v1 =	vsel vm0, v9, v1;
	v7 =	vld [tilespmem:s18+$0x20];
	[tilespmem:s28+$0x40] =	vst v8;
	(pc) =	sbr.rel @p1 .LBB2_3-.Ltmp2, $4  }
0xa3: {  	v8 =	vsel vm0, v11, v3;
	v9 =	vsel vm0, v3, v11;
	[tilespmem:s26+$0x40] =	vst v1;
	v1 =	vld [tilespmem:s10+$0xFFFFFFD0];
	s10 =	smov.u32 s11;
	s11 =	smov.u32 s22;
	s22 =	smov.u32 s18  }
0xa4: {  	[tilespmem:s24+$0xFFFFFFB0] =	vst v8;
	v3 =	vld [tilespmem:s16+$0x50]  }
0xa5: {  	[tilespmem:s25+$0xFFFFFFB0] =	vst v9;
	v9 =	vsel vm0, v4, v5;
	v8 =	vsel vm0, v5, v4;
	v5 =	vld [tilespmem:s11+$0x50]  }
0xa6: {  	s15 =	sadd.s32 $0x100, s15;
	v4 =	vld [tilespmem:s29+$0xFFFFFFA0];
	[tilespmem:s28+$0xFFFFFFD0] =	vst v9  }
0xa7: {  	v9 =	vsel vm0, v7, v6  }
0xa8: {  	v6 =	vsel vm0, v6, v7;
	v7 =	vld [tilespmem:s22+$0xFFFFFFA0];
	[tilespmem:s24+$0x20] =	vst v9  }
0xa9: {  	[tilespmem:s25+$0x20] =	vst v6  }
0xaa: {  	v6 =	vld [tilespmem:s29+$0x30]  }
0xab: {  	v9 =	vld [tilespmem:s22+$0x30];
	_ =	sdelay $0x1  }
0xac: {  	v10 =	vsel vm0, v7, v4  }
0xad: {  	v4 =	vsel vm0, v4, v7;
	[tilespmem:s19+$0xFFFFFFC0] =	vst v10  }
0xae: {  	[tilespmem:s21+$0xFFFFFFC0] =	vst v4  }
0xaf: {  	v4 =	vsel vm0, v9, v6;
	v7 =	vld [tilespmem:s29+$0xFFFFFFB0]  }
0xb0: {  	[tilespmem:s19+$0x30] =	vst v4;
	v4 =	vsel vm0, v6, v9;
	v6 =	vld [tilespmem:s22+$0xFFFFFFB0]  }
0xb1: {  	[tilespmem:s21+$0x30] =	vst v4  }
0xb2: {  	v4 =	vld [tilespmem:s29+$0x40]  }
0xb3: {  	v9 =	vld [tilespmem:s22+$0x40]  }
0xb4: {  	[tilespmem:s26+$0xFFFFFFD0] =	vst v8  }
0xb5: {  	[tilespmem:s8+$0xFFFFFFE0] =	vst v2;
	v2 =	vsel vm0, v6, v7  }
0xb6: {  	v8 =	vld [tilespmem:s16+$0xFFFFFFC0];
	v6 =	vsel vm0, v7, v6;
	[tilespmem:s19+$0xFFFFFFD0] =	vst v2  }
0xb7: {  	v7 =	vld [tilespmem:s11+$0xFFFFFFC0];
	v2 =	vsel vm0, v5, v3;
	[tilespmem:s21+$0xFFFFFFD0] =	vst v6  }
0xb8: {  	[tilespmem:s28+$0x50] =	vst v2;
	v2 =	vsel vm0, v9, v4;
	v6 =	vld [tilespmem:s29+$0xFFFFFFC0]  }
0xb9: {  	[tilespmem:s19+$0x40] =	vst v2;
	v2 =	vsel vm0, v4, v9;
	v4 =	vld [tilespmem:s22+$0xFFFFFFC0]  }
0xba: {  	v3 =	vsel vm0, v3, v5;
	[tilespmem:s21+$0x40] =	vst v2  }
0xbb: {  	[tilespmem:s26+$0x50] =	vst v3;
	v2 =	vsel vm0, v1, v0;
	v3 =	vld [tilespmem:s29+$0x50]  }
0xbc: {  	[tilespmem:s1+$0xFFFFFFF0] =	vst v2;
	v2 =	vsel vm0, v7, v8;
	v5 =	vld [tilespmem:s22+$0x50]  }
0xbd: {  	v9 =	vld [tilespmem:s9+$0xFFFFFFD0];
	v7 =	vsel vm0, v8, v7;
	[tilespmem:s28+$0xFFFFFFE0] =	vst v2  }
0xbe: {  	v2 =	vld [tilespmem:s10+$0xFFFFFFD0];
	[tilespmem:s26+$0xFFFFFFE0] =	vst v7;
	v7 =	vsel vm0, v4, v6  }
0xbf: {  	v8 =	vld [tilespmem:s16+$0xFFFFFFD0];
	v4 =	vsel vm0, v6, v4;
	[tilespmem:s19+$0xFFFFFFE0] =	vst v7  }
0xc0: {  	v0 =	vsel vm0, v0, v1;
	v1 =	vld [tilespmem:s11+$0xFFFFFFD0];
	[tilespmem:s21+$0xFFFFFFE0] =	vst v4  }
0xc1: {  	[tilespmem:s0+$0xFFFFFFF0] =	vst v0;
	v0 =	vsel vm0, v5, v3;
	v4 =	vld [tilespmem:s29+$0xFFFFFFD0]  }
0xc2: {  	[tilespmem:s19+$0x50] =	vst v0;
	v0 =	vsel vm0, v3, v5;
	v3 =	vld [tilespmem:s22+$0xFFFFFFD0]  }
0xc3: {  	v5 =	vsel vm0, v2, v9;
	[tilespmem:s21+$0x50] =	vst v0  }
0xc4: {  	v0 =	vsel vm0, v9, v2;
	[tilespmem:s17+$0xFFFFFFF0] =	vst v5  }
0xc5: {  	[tilespmem:s8+$0xFFFFFFF0] =	vst v0;
	v0 =	vsel vm0, v1, v8  }
0xc6: {  	s25 =	sadd.s32 s13, s31;
	v1 =	vsel vm0, v8, v1;
	[tilespmem:s28+$0xFFFFFFF0] =	vst v0  }
0xc7: {  	s0 =	smul.u32 $0xC, s25;
	[tilespmem:s26+$0xFFFFFFF0] =	vst v1;
	v0 =	vsel vm0, v3, v4  }
0xc8: {  	v1 =	vsel vm0, v4, v3;
	[tilespmem:s19+$0xFFFFFFF0] =	vst v0  }
0xc9: {  	s2 =	simm.s32 $0x10000;
	s26 =	sadd.s32 s12, s0;
	[tilespmem:s21+$0xFFFFFFF0] =	vst v1  }
0xca: {  	[hbm4b:s26+s3] =	stream.linear.scatter [tilespmem:s2], [sflag:$0x3], $0x3000, $0x38;
	[tilespmem:$0x1C000] =	vst v63  }
0xcb: {  	s28 =	simm.s32 $0x16000;
	s0 =	sadd.s32 s7, s0  }
0xcc: {  	[hbm4b:s0+s3] =	stream.linear.scatter [tilespmem:s28], [sflag:$0x3], $0x3000, $0x38;
	[tilespmem:$0x1C000] =	vst v63  }
0xcd: {  	p1 =	seq.s32 s30, $0x30;
	s0 =	rddreg [dreg:$0x7]  }
0xce: {  	s0 =	sadd.s32 @!p1 s31, s0  }
0xcf: {  	s0 =	sshll.u32 @!p1 s0, $0x7  }
0xd0: {  	s0 =	sadd.s32 @!p1 s4, s0  }
0xd1: {  	s0 =	sshrl.u32 @!p1 s0, $0x3  }
0xd2: {  	s2 =	simm.s32 @!p1 $0x0;
	s1 =	sadd.s32 @!p1 s5, s0  }
0xd3: {  	[tilespmem:s2], [sflag:$0x1] =	stream.linear.gather @!p1 [hbm4b:s1+s2], $0x4000, $0x38;
	[tilespmem:$0x1C000] =	vst v63  }
0xd4: {  	s0 =	sadd.s32 @!p1 s6, s0;
	s1 =	simm.s32 @!p1 $0x8000  }
0xd5: {  	[tilespmem:s1], [sflag:$0x1] =	stream.linear.gather @!p1 [hbm4b:s0+s2], $0x4000, $0x38;
	[tilespmem:$0x1C000] =	vst v63  }
0xd6: {  	_ =	swait.ge [sflag:s23], $0x4000  }
0xd7: {  	[sflag:s23] =	ssyncset.done $0x0  }
0xd8: {  	[sflag:s23] =	ssyncadd.s32 $0xFFFFC000  }
0xd9: {  	_ =	swait.ge [sflag:s23], $0x4000  }
0xda: {  	[sflag:s23] =	ssyncset.done $0x0  }
0xdb: {  	s0 =	simm.s32 @!p0 $0x4;
	[sflag:s23] =	ssyncadd.s32 $0xFFFFC000  }
0xdc: {  	_ =	swait.ge @!p0 [sflag:s0], $0x3000  }
0xdd: {  	[sflag:s0] =	ssyncset.done @!p0 $0x0  }
0xde: {  	[sflag:s0] =	ssyncadd.s32 @!p0 $0xFFFFD000  }
0xdf: {  	_ =	swait.ge @!p0 [sflag:s0], $0x3000  }
0xe0: {  	[sflag:s0] =	ssyncset.done @!p0 $0x0  }
0xe1: {  	s29 =	simm.s32 $0x0;
	[sflag:s0] =	ssyncadd.s32 @!p0 $0xFFFFD000  }
0xe2: {  	v0 =	vld [tilespmem:s29+$0x4080]  }
0xe3: {  	v1 =	vld [tilespmem:s29+$0xC080];
	_ =	sdelay $0x4  }
0xe4: {  	s1 =	simm.s32 $0x130B0;
	v2 =	vsel vm0, v1, v0  }
0xe5: {  	s0 =	simm.s32 $0x190B0;
	v0 =	vsel vm0, v0, v1;
	[tilespmem:s1+$0xFFFFFFB0] =	vst v2  }
0xe6: {  	[tilespmem:s0+$0xFFFFFFB0] =	vst v0  }
0xe7: {  	v0 =	vld [tilespmem:s29+$0x4090]  }
0xe8: {  	v1 =	vld [tilespmem:s29+$0xC090];
	_ =	sdelay $0x4  }
0xe9: {  	v2 =	vsel vm0, v1, v0  }
0xea: {  	v3 =	vld [tilespmem:s29+$0x4000];
	v0 =	vsel vm0, v0, v1;
	[tilespmem:s1+$0xFFFFFFC0] =	vst v2  }
0xeb: {  	v1 =	vld [tilespmem:s29+$0xC000];
	[tilespmem:s0+$0xFFFFFFC0] =	vst v0  }
0xec: {  	v0 =	vld [tilespmem:s29+$0x40A0]  }
0xed: {  	v2 =	vld [tilespmem:s29+$0xC0A0];
	_ =	sdelay $0x1  }
0xee: {  	s9 =	simm.s32 $0x100  }
0xef: {  	v5 =	vld [tilespmem:s9+$0x4080];
	v4 =	vsel vm0, v1, v3  }
0xf0: {  	v1 =	vsel vm0, v3, v1;
	v3 =	vld [tilespmem:s9+$0xC080];
	[tilespmem:s1+$0xFFFFFF50] =	vst v4  }
0xf1: {  	v7 =	vld [tilespmem:s9+$0x4000];
	[tilespmem:s0+$0xFFFFFF50] =	vst v1;
	v1 =	vsel vm0, v2, v0  }
0xf2: {  	v4 =	vld [tilespmem:s29+$0x4010];
	v0 =	vsel vm0, v0, v2;
	[tilespmem:s1+$0xFFFFFFD0] =	vst v1  }
0xf3: {  	v1 =	vld [tilespmem:s29+$0xC010];
	[tilespmem:s0+$0xFFFFFFD0] =	vst v0  }
0xf4: {  	v0 =	vld [tilespmem:s29+$0x40B0]  }
0xf5: {  	s8 =	simm.s32 $0x13170;
	v6 =	vsel vm0, v3, v5;
	v2 =	vld [tilespmem:s29+$0xC0B0]  }
0xf6: {  	s10 =	simm.s32 $0x19170;
	v3 =	vsel vm0, v5, v3;
	v5 =	vld [tilespmem:s9+$0xC000];
	[tilespmem:s8+$0xFFFFFFB0] =	vst v6  }
0xf7: {  	[tilespmem:s10+$0xFFFFFFB0] =	vst v3  }
0xf8: {  	v6 =	vld [tilespmem:s9+$0x4090];
	v3 =	vsel vm0, v1, v4  }
0xf9: {  	v1 =	vsel vm0, v4, v1;
	[tilespmem:s1+$0xFFFFFF60] =	vst v3;
	v3 =	vld [tilespmem:s9+$0xC090]  }
0xfa: {  	[tilespmem:s0+$0xFFFFFF60] =	vst v1;
	v1 =	vsel vm0, v2, v0  }
0xfb: {  	v0 =	vsel vm0, v0, v2;
	v2 =	vsel vm0, v5, v7;
	v4 =	vld [tilespmem:s29+$0x4020];
	[tilespmem:s1+$0xFFFFFFE0] =	vst v1  }
0xfc: {  	v1 =	vld [tilespmem:s29+$0xC020];
	[tilespmem:s8+$0xFFFFFF50] =	vst v2  }
0xfd: {  	s11 =	simm.s32 $0x200;
	[tilespmem:s0+$0xFFFFFFE0] =	vst v0;
	v0 =	vsel vm0, v7, v5  }
0xfe: {  	v9 =	vld [tilespmem:s11+$0xC080];
	[tilespmem:s10+$0xFFFFFF50] =	vst v0;
	v5 =	vsel vm0, v3, v6  }
0xff: {  	v2 =	vld [tilespmem:s29+$0x40C0];
	v3 =	vsel vm0, v6, v3;
	[tilespmem:s8+$0xFFFFFFC0] =	vst v5  }
0x100: {  	v0 =	vld [tilespmem:s29+$0xC0C0];
	[tilespmem:s10+$0xFFFFFFC0] =	vst v3  }
0x101: {  	v3 =	vsel vm0, v1, v4;
	v6 =	vld [tilespmem:s9+$0x40A0]  }
0x102: {  	[tilespmem:s1+$0xFFFFFF70] =	vst v3;
	v3 =	vld [tilespmem:s9+$0xC0A0]  }
0x103: {  	v5 =	vld [tilespmem:s9+$0x4010];
	v1 =	vsel vm0, v4, v1  }
0x104: {  	v4 =	vld [tilespmem:s9+$0xC010];
	[tilespmem:s0+$0xFFFFFF70] =	vst v1  }
0x105: {  	v1 =	vsel vm0, v0, v2;
	v7 =	vld [tilespmem:s29+$0x4030]  }
0x106: {  	[tilespmem:s1+$0xFFFFFFF0] =	vst v1;
	v1 =	vld [tilespmem:s29+$0xC030]  }
0x107: {  	v0 =	vsel vm0, v2, v0;
	v2 =	vld [tilespmem:s11+$0x4080];
	v8 =	vsel vm0, v3, v6  }
0x108: {  	v3 =	vsel vm0, v6, v3;
	[tilespmem:s8+$0xFFFFFFD0] =	vst v8  }
0x109: {  	[tilespmem:s10+$0xFFFFFFD0] =	vst v3;
	v3 =	vsel vm0, v4, v5;
	v4 =	vsel vm0, v5, v4;
	v5 =	vld [tilespmem:s11+$0x4000]  }
0x10a: {  	v8 =	vld [tilespmem:s9+$0x40B0];
	[tilespmem:s8+$0xFFFFFF60] =	vst v3  }
0x10b: {  	v3 =	vld [tilespmem:s9+$0xC0B0];
	[tilespmem:s10+$0xFFFFFF60] =	vst v4;
	v4 =	vsel vm0, v1, v7  }
0x10c: {  	s17 =	simm.s32 $0x13230;
	v10 =	vsel vm0, v9, v2;
	[tilespmem:s1+$0xFFFFFF80] =	vst v4;
	v4 =	vld [tilespmem:s11+$0xC000]  }
0x10d: {  	[tilespmem:s17+$0xFFFFFFB0] =	vst v10;
	v10 =	vld [tilespmem:s9+$0x4020]  }
0x10e: {  	s16 =	simm.s32 $0x19230;
	[tilespmem:s0+$0xFFFFFFF0] =	vst v0;
	v2 =	vsel vm0, v2, v9;
	v1 =	vsel vm0, v7, v1;
	v7 =	vld [tilespmem:s9+$0xC020]  }
0x10f: {  	v0 =	vld [tilespmem:s29+$0x40D0];
	[tilespmem:s16+$0xFFFFFFB0] =	vst v2  }
0x110: {  	v9 =	vld [tilespmem:s11+$0xC090];
	[tilespmem:s0+$0xFFFFFF80] =	vst v1;
	v2 =	vsel vm0, v3, v8  }
0x111: {  	v1 =	vld [tilespmem:s11+$0x4090];
	[tilespmem:s8+$0xFFFFFFE0] =	vst v2;
	v2 =	vsel vm0, v8, v3  }
0x112: {  	v6 =	vld [tilespmem:s29+$0xC0D0];
	v8 =	vsel vm0, v4, v5;
	[tilespmem:s10+$0xFFFFFFE0] =	vst v2  }
0x113: {  	v3 =	vld [tilespmem:s29+$0x4040];
	v2 =	vsel vm0, v5, v4;
	v5 =	vsel vm0, v7, v10;
	[tilespmem:s17+$0xFFFFFF50] =	vst v8  }
0x114: {  	v4 =	vld [tilespmem:s9+$0x40C0];
	[tilespmem:s8+$0xFFFFFF70] =	vst v5  }
0x115: {  	v7 =	vsel vm0, v10, v7;
	[tilespmem:s16+$0xFFFFFF50] =	vst v2;
	v2 =	vld [tilespmem:s9+$0xC0C0]  }
0x116: {  	v10 =	vsel vm0, v9, v1;
	[tilespmem:s10+$0xFFFFFF70] =	vst v7;
	v7 =	vld [tilespmem:s29+$0xC040]  }
0x117: {  	v1 =	vsel vm0, v1, v9;
	v9 =	vsel vm0, v6, v0;
	[tilespmem:s17+$0xFFFFFFC0] =	vst v10;
	v8 =	vld [tilespmem:s11+$0x4010]  }
0x118: {  	[tilespmem:s1+$0x0] =	vst v9;
	v5 =	vld [tilespmem:s11+$0xC010]  }
0x119: {  	v0 =	vsel vm0, v0, v6;
	v10 =	vld [tilespmem:s9+$0x4030];
	[tilespmem:s16+$0xFFFFFFC0] =	vst v1  }
0x11a: {  	[tilespmem:s0+$0x0] =	vst v0;
	v1 =	vld [tilespmem:s11+$0x40A0];
	v9 =	vsel vm0, v2, v4  }
0x11b: {  	v0 =	vsel vm0, v7, v3;
	[tilespmem:s8+$0xFFFFFFF0] =	vst v9;
	v9 =	vld [tilespmem:s11+$0xC0A0]  }
0x11c: {  	s26 =	simm.s32 $0x300;
	v2 =	vsel vm0, v4, v2;
	v4 =	vld [tilespmem:s9+$0xC030];
	[tilespmem:s1+$0xFFFFFF90] =	vst v0  }
0x11d: {  	v3 =	vsel vm0, v3, v7;
	v0 =	vld [tilespmem:s26+$0x4080];
	[tilespmem:s10+$0xFFFFFFF0] =	vst v2  }
0x11e: {  	v2 =	vsel vm0, v5, v8;
	[tilespmem:s0+$0xFFFFFF90] =	vst v3;
	v3 =	vld [tilespmem:s26+$0xC000]  }
0x11f: {  	v5 =	vsel vm0, v8, v5;
	[tilespmem:s17+$0xFFFFFF60] =	vst v2;
	v2 =	vld [tilespmem:s9+$0x40D0]  }
0x120: {  	[tilespmem:s16+$0xFFFFFF60] =	vst v5;
	v5 =	vld [tilespmem:s9+$0xC0D0];
	v8 =	vsel vm0, v9, v1  }
0x121: {  	v1 =	vsel vm0, v1, v9;
	[tilespmem:s17+$0xFFFFFFD0] =	vst v8;
	v8 =	vld [tilespmem:s26+$0xC080]  }
0x122: {  	v6 =	vld [tilespmem:s11+$0x4020];
	v9 =	vsel vm0, v4, v10;
	[tilespmem:s16+$0xFFFFFFD0] =	vst v1  }
0x123: {  	v4 =	vsel vm0, v10, v4;
	[tilespmem:s8+$0xFFFFFF80] =	vst v9;
	v9 =	vld [tilespmem:s11+$0x40B0]  }
0x124: {  	[tilespmem:s10+$0xFFFFFF80] =	vst v4;
	v4 =	vld [tilespmem:s11+$0xC0B0]  }
0x125: {  	v10 =	vld [tilespmem:s11+$0xC020];
	v7 =	vsel vm0, v5, v2  }
0x126: {  	s21 =	simm.s32 $0x132F0;
	v1 =	vld [tilespmem:s26+$0x4000];
	[tilespmem:s8+$0x0] =	vst v7;
	v7 =	vsel vm0, v8, v0  }
0x127: {  	s22 =	simm.s32 $0x192F0;
	v0 =	vsel vm0, v0, v8;
	v8 =	vld [tilespmem:s9+$0xC040];
	[tilespmem:s21+$0xFFFFFFB0] =	vst v7  }
0x128: {  	v2 =	vsel vm0, v2, v5;
	v7 =	vld [tilespmem:s9+$0x4040];
	[tilespmem:s22+$0xFFFFFFB0] =	vst v0  }
0x129: {  	[tilespmem:s10+$0x0] =	vst v2;
	v0 =	vsel vm0, v4, v9;
	v2 =	vld [tilespmem:s26+$0x4090]  }
0x12a: {  	v5 =	vld [tilespmem:s26+$0xC090];
	[tilespmem:s17+$0xFFFFFFE0] =	vst v0;
	v0 =	vsel vm0, v9, v4  }
0x12b: {  	v4 =	vsel vm0, v3, v1;
	[tilespmem:s16+$0xFFFFFFE0] =	vst v0;
	v0 =	vld [tilespmem:s29+$0x4050]  }
0x12c: {  	v1 =	vsel vm0, v1, v3;
	[tilespmem:s21+$0xFFFFFF50] =	vst v4;
	v3 =	vld [tilespmem:s11+$0x40C0]  }
0x12d: {  	v4 =	vsel vm0, v10, v6;
	[tilespmem:s22+$0xFFFFFF50] =	vst v1;
	v1 =	vld [tilespmem:s11+$0xC0C0]  }
0x12e: {  	v6 =	vsel vm0, v6, v10;
	[tilespmem:s17+$0xFFFFFF70] =	vst v4;
	v9 =	vld [tilespmem:s26+$0x4010]  }
0x12f: {  	v4 =	vld [tilespmem:s26+$0xC010];
	[tilespmem:s16+$0xFFFFFF70] =	vst v6;
	v10 =	vsel vm0, v5, v2  }
0x130: {  	v11 =	vld [tilespmem:s11+$0xC030];
	v2 =	vsel vm0, v2, v5;
	[tilespmem:s21+$0xFFFFFFC0] =	vst v10  }
0x131: {  	v6 =	vsel vm0, v8, v7;
	v10 =	vld [tilespmem:s11+$0x4030];
	[tilespmem:s22+$0xFFFFFFC0] =	vst v2  }
0x132: {  	[tilespmem:s8+$0xFFFFFF90] =	vst v6;
	v2 =	vsel vm0, v1, v3;
	v5 =	vld [tilespmem:s26+$0x40A0]  }
0x133: {  	v1 =	vsel vm0, v3, v1;
	[tilespmem:s17+$0xFFFFFFF0] =	vst v2;
	v6 =	vld [tilespmem:s26+$0xC0A0]  }
0x134: {  	v2 =	vsel vm0, v4, v9;
	[tilespmem:s16+$0xFFFFFFF0] =	vst v1;
	v1 =	vld [tilespmem:s29+$0xC050]  }
0x135: {  	s15 =	simm.s32 $0x1000;
	s18 =	simm.s32 $0x132F0;
	v4 =	vsel vm0, v9, v4;
	[tilespmem:s21+$0xFFFFFF60] =	vst v2;
	v3 =	vld [tilespmem:s11+$0x40D0]  }
0x136: {  	s25 =	smov.u32 s12;
	s19 =	simm.s32 $0x192F0;
	s2 =	simm.s32 $0x6;
	v2 =	vsel vm0, v7, v8;
	[tilespmem:s22+$0xFFFFFF60] =	vst v4;
	v4 =	vld [tilespmem:s11+$0xC0D0];
	v8 =	vsel vm0, v11, v10;
	v7 =	vsel vm0, v10, v11  }
.LBB2_5:
0x137: {  	s24 =	sshra.s32 s15, $0x2;
	v9 =	vld [tilespmem:s26+$0x4020];
	[tilespmem:s17+$0xFFFFFF80] =	vst v8  }
0x138: {  	v8 =	vld [tilespmem:s24+$0x4080];
	v10 =	vsel vm0, v6, v5;
	[tilespmem:s16+$0xFFFFFF80] =	vst v7  }
0x139: {  	v5 =	vsel vm0, v5, v6;
	v7 =	vld [tilespmem:s24+$0xC080];
	[tilespmem:s21+$0xFFFFFFD0] =	vst v10;
	v6 =	vsel vm0, v1, v0;
	v0 =	vsel vm0, v0, v1  }
0x13a: {  	v1 =	vld [tilespmem:s24+$0x4000];
	[tilespmem:s22+$0xFFFFFFD0] =	vst v5  }
0x13b: {  	v5 =	vld [tilespmem:s26+$0x40B0];
	v10 =	vsel vm0, v4, v3;
	[tilespmem:s10+$0xFFFFFF90] =	vst v2  }
0x13c: {  	v3 =	vsel vm0, v3, v4;
	v2 =	vld [tilespmem:s26+$0xC0B0];
	[tilespmem:s17+$0x0] =	vst v10  }
0x13d: {  	v4 =	vld [tilespmem:s24+$0xC000];
	[tilespmem:s16+$0x0] =	vst v3  }
0x13e: {  	s21 =	sadd.s32 $0xC0, s21;
	v3 =	vsel vm0, v7, v8;
	v10 =	vld [tilespmem:s26+$0xC020];
	[tilespmem:s1+$0xFFFFFFA0] =	vst v6;
	s1 =	smov.u32 s8;
	s8 =	smov.u32 s17  }
0x13f: {  	s22 =	sadd.s32 $0xC0, s22;
	s17 =	smov.u32 s18;
	s18 =	smov.u32 s21;
	[tilespmem:s21+$0xFFFFFFB0] =	vst v3;
	v3 =	vsel vm0, v8, v7;
	v6 =	vld [tilespmem:s11+$0x4040]  }
0x140: {  	[tilespmem:s22+$0xFFFFFFB0] =	vst v3;
	v3 =	vld [tilespmem:s11+$0xC040]  }
0x141: {  	v7 =	vld [tilespmem:s24+$0x4090];
	v8 =	vsel vm0, v2, v5;
	[tilespmem:s0+$0xFFFFFFA0] =	vst v0;
	s0 =	smov.u32 s10;
	s10 =	smov.u32 s16;
	s16 =	smov.u32 s19  }
0x142: {  	v0 =	vsel vm0, v5, v2;
	s19 =	smov.u32 s22;
	v11 =	vsel vm0, v4, v1;
	v1 =	vsel vm0, v1, v4;
	v4 =	vld [tilespmem:s24+$0xC090];
	[tilespmem:s17+$0xFFFFFFE0] =	vst v8  }
0x143: {  	s2 =	sadd.s32 $0x2, s2;
	v5 =	vsel vm0, v10, v9;
	v8 =	vsel vm0, v9, v10;
	[tilespmem:s16+$0xFFFFFFE0] =	vst v0;
	v0 =	vld [tilespmem:s9+$0x4050]  }
0x144: {  	p0 =	slt.u32 s2, $0x7E;
	[tilespmem:s21+$0xFFFFFF50] =	vst v11;
	v9 =	vld [tilespmem:s26+$0x40C0]  }
0x145: {  	[tilespmem:s22+$0xFFFFFF50] =	vst v1;
	v1 =	vld [tilespmem:s26+$0xC0C0];
	v10 =	vsel vm0, v3, v6;
	v2 =	vsel vm0, v6, v3  }
0x146: {  	v3 =	vld [tilespmem:s24+$0x4010];
	[tilespmem:s17+$0xFFFFFF70] =	vst v5  }
0x147: {  	v11 =	vld [tilespmem:s24+$0xC010];
	v5 =	vsel vm0, v4, v7;
	[tilespmem:s16+$0xFFFFFF70] =	vst v8  }
0x148: {  	v4 =	vsel vm0, v7, v4;
	[tilespmem:s21+$0xFFFFFFC0] =	vst v5;
	v7 =	vld [tilespmem:s26+$0x4030]  }
0x149: {  	[tilespmem:s22+$0xFFFFFFC0] =	vst v4;
	v4 =	vld [tilespmem:s26+$0xC030]  }
.Ltmp3:
0x14a: {  	v5 =	vld [tilespmem:s24+$0x40A0];
	v8 =	vsel vm0, v1, v9;
	[tilespmem:s8+$0xFFFFFF90] =	vst v10;
	(pc) =	sbr.rel @p0 .LBB2_5-.Ltmp3, $4  }
0x14b: {  	v1 =	vsel vm0, v9, v1;
	v6 =	vld [tilespmem:s24+$0xC0A0];
	[tilespmem:s17+$0xFFFFFFF0] =	vst v8  }
0x14c: {  	v8 =	vsel vm0, v11, v3;
	v9 =	vsel vm0, v3, v11;
	[tilespmem:s16+$0xFFFFFFF0] =	vst v1;
	v1 =	vld [tilespmem:s9+$0xC050];
	s9 =	smov.u32 s11;
	s11 =	smov.u32 s26;
	s26 =	smov.u32 s24  }
0x14d: {  	[tilespmem:s21+$0xFFFFFF60] =	vst v8;
	v3 =	vld [tilespmem:s11+$0x40D0]  }
0x14e: {  	s15 =	sadd.s32 $0x400, s15;
	[tilespmem:s22+$0xFFFFFF60] =	vst v9;
	v8 =	vsel vm0, v4, v7;
	v7 =	vsel vm0, v7, v4;
	v4 =	vld [tilespmem:s11+$0xC0D0]  }
0x14f: {  	v9 =	vld [tilespmem:s26+$0x4020]  }
0x150: {  	v34 =	vld [tilespmem:s26+$0xC020];
	_ =	sdelay $0x2  }
0x151: {  	v10 =	vsel vm0, v6, v5  }
0x152: {  	v33 =	vsel vm0, v5, v6;
	[tilespmem:s21+$0xFFFFFFD0] =	vst v10  }
0x153: {  	[tilespmem:s22+$0xFFFFFFD0] =	vst v33;
	v11 =	vsel vm0, v34, v9  }
0x154: {  	v5 =	vld [tilespmem:s26+$0x40B0];
	v6 =	vsel vm0, v9, v34;
	[tilespmem:s18+$0xFFFFFF70] =	vst v11  }
0x155: {  	v10 =	vld [tilespmem:s26+$0xC0B0];
	[tilespmem:s19+$0xFFFFFF70] =	vst v6  }
0x156: {  	v36 =	vld [tilespmem:s26+$0x4030]  }
0x157: {  	v37 =	vld [tilespmem:s26+$0xC030]  }
0x158: {  	[tilespmem:s17+$0xFFFFFF80] =	vst v8  }
0x159: {  	[tilespmem:s10+$0xFFFFFF90] =	vst v2  }
0x15a: {  	[tilespmem:s16+$0xFFFFFF80] =	vst v7;
	v35 =	vsel vm0, v10, v5  }
0x15b: {  	v7 =	vld [tilespmem:s11+$0x4040];
	v5 =	vsel vm0, v5, v10;
	[tilespmem:s18+$0xFFFFFFE0] =	vst v35  }
0x15c: {  	v41 =	vld [tilespmem:s11+$0xC040];
	[tilespmem:s19+$0xFFFFFFE0] =	vst v5;
	v39 =	vsel vm0, v37, v36  }
0x15d: {  	v5 =	vld [tilespmem:s26+$0x40C0];
	v6 =	vsel vm0, v36, v37;
	[tilespmem:s18+$0xFFFFFF80] =	vst v39  }
0x15e: {  	v46 =	vsel vm0, v1, v0;
	v38 =	vld [tilespmem:s26+$0xC0C0];
	[tilespmem:s19+$0xFFFFFF80] =	vst v6  }
0x15f: {  	v54 =	vsel vm0, v0, v1;
	[tilespmem:s1+$0xFFFFFFA0] =	vst v46;
	v6 =	vld [tilespmem:s26+$0x4040]  }
0x160: {  	v40 =	vsel vm0, v4, v3;
	[tilespmem:s0+$0xFFFFFFA0] =	vst v54;
	v44 =	vld [tilespmem:s26+$0xC040]  }
0x161: {  	[tilespmem:s17+$0x0] =	vst v40;
	v48 =	vsel vm0, v41, v7  }
0x162: {  	v50 =	vld [tilespmem:s9+$0x4050];
	v7 =	vsel vm0, v7, v41;
	[tilespmem:s17+$0xFFFFFF90] =	vst v48  }
0x163: {  	v51 =	vld [tilespmem:s9+$0xC050];
	[tilespmem:s16+$0xFFFFFF90] =	vst v7;
	v42 =	vsel vm0, v38, v5  }
0x164: {  	v53 =	vld [tilespmem:s11+$0x4050];
	v43 =	vsel vm0, v5, v38;
	[tilespmem:s18+$0xFFFFFFF0] =	vst v42  }
0x165: {  	v55 =	vld [tilespmem:s11+$0xC050];
	[tilespmem:s19+$0xFFFFFFF0] =	vst v43;
	v52 =	vsel vm0, v44, v6  }
0x166: {  	v47 =	vld [tilespmem:s26+$0x40D0];
	v5 =	vsel vm0, v6, v44;
	[tilespmem:s18+$0xFFFFFF90] =	vst v52  }
0x167: {  	v45 =	vsel vm0, v3, v4;
	v49 =	vld [tilespmem:s26+$0xC0D0];
	[tilespmem:s19+$0xFFFFFF90] =	vst v5  }
0x168: {  	[tilespmem:s16+$0x0] =	vst v45;
	v59 =	vsel vm0, v51, v50;
	v5 =	vld [tilespmem:s26+$0x4050]  }
0x169: {  	v60 =	vsel vm0, v50, v51;
	[tilespmem:s8+$0xFFFFFFA0] =	vst v59;
	v58 =	vld [tilespmem:s26+$0xC050]  }
0x16a: {  	[tilespmem:s10+$0xFFFFFFA0] =	vst v60;
	v61 =	vsel vm0, v55, v53  }
0x16b: {  	v1 =	vsel vm0, v53, v55;
	[tilespmem:s17+$0xFFFFFFA0] =	vst v61  }
0x16c: {  	[tilespmem:s16+$0xFFFFFFA0] =	vst v1;
	v56 =	vsel vm0, v49, v47  }
0x16d: {  	s26 =	sadd.s32 s31, s14;
	v57 =	vsel vm0, v47, v49;
	[tilespmem:s18+$0x0] =	vst v56  }
0x16e: {  	s0 =	smul.u32 $0xC, s26;
	[tilespmem:s19+$0x0] =	vst v57;
	v62 =	vsel vm0, v58, v5  }
.Ltmp4:
0x16f: {  	v63 =	vsel vm0, v5, v58;
	[tilespmem:s18+$0xFFFFFFA0] =	vst v62;
	(pc) =	sbr.rel @p1 .LBB2_8-.Ltmp4, $4  }
0x170: {  	s2 =	simm.s32 $0x13000;
	s28 =	sadd.s32 s25, s0;
	[tilespmem:s19+$0xFFFFFFA0] =	vst v63  }
0x171: {  	[hbm4b:s28+s3] =	stream.linear.scatter [tilespmem:s2], [sflag:$0x4], $0x3000, $0x38;
	[tilespmem:$0x1C000] =	vst v63  }
0x172: {  	s29 =	simm.s32 $0x19000;
	s0 =	sadd.s32 s7, s0  }
0x173: {  	[hbm4b:s0+s3] =	stream.linear.scatter [tilespmem:s29], [sflag:$0x4], $0x3000, $0x38;
	[tilespmem:$0x1C000] =	vst v63  }
0x174: {  	s0 =	rddreg [dreg:$0x8]  }
0x175: {  	s0 =	sadd.s32 s31, s0  }
0x176: {  	s0 =	sshll.u32 s0, $0x7  }
0x177: {  	s0 =	sadd.s32 s4, s0  }
.Ltmp5:
0x178: {  	s0 =	sshrl.u32 s0, $0x3;
	(pc) =	sbr.rel .LBB2_2-.Ltmp5, $4  }
0x179: {  	s2 =	simm.s32 $0x4000;
	s1 =	sadd.s32 s5, s0  }
0x17a: {  	[tilespmem:s2], [sflag:$0x2] =	stream.linear.gather [hbm4b:s1+s3], $0x4000, $0x38;
	[tilespmem:$0x1C000] =	vst v63  }
0x17b: {  	s30 =	sadd.s32 $0x1, s30;
	s31 =	simm.s32 $0xC000;
	s0 =	sadd.s32 s6, s0  }
0x17c: {  	[tilespmem:s31], [sflag:$0x2] =	stream.linear.gather [hbm4b:s0+s3], $0x4000, $0x38;
	[tilespmem:$0x1C000] =	vst v63  }
.LBB2_9:
0x17d: {  	_ =	sfence.sel $0x180000  }
0x17e: {  	[bflag:$0x0] =	sbarrier.arrive $0xFFFF  }
0x17f: {  	_ =	strace $0x90000047  }
0x180: {  	s0 =	stileid.u32;
	[bflag:$0x2] =	sbarrier.arrive $0xFFFF  }
0x181: {  	p0 =	sne.s32 s0, $0x0;
	s0 =	rddreg [dreg:$0x2]  }
0x182: {  	s0 =	sadd.s32 @!p0 $0x100000, s0  }
0x183: {  	[sflag:s0] =	ssyncadd.tile.s32 @!p0 $0x1;
	_ =	shalt  }
.Lfunc_end2:
_tile_overlayer_lowered:
.L_overlay_start_2:
0x184: {  	(tag) =	ssettag $0x2  }
0x185: {  	s0 =	rddreg [dreg:$0x0];
	s2 =	stileid.u32  }
0x186: {  	s1 =	rddreg [dreg:$0x1];
	p0 =	sne.s32 s2, $0x0  }
0x187: {  	s3 =	rddreg [dreg:$0x2];
	[bflag:$0x3] =	sbarrier.arrive $0xFFFF;
	s2 =	simm.s32 @!p0 $0x1C05  }
0x188: {  	[timem:s3], [sflag:s2] =	dma.local @!p0 [hbm:s0], s1  }
0x189: {  	s0 =	simm.s32 @!p0 $0x5  }
0x18a: {  	_ =	swait.ge @!p0 [sflag:s0], s1  }
0x18b: {  	s1 =	ssub.s32 @!p0 $0x0, s1;
	[sflag:s0] =	ssyncset.done @!p0 $0x0  }
0x18c: {  	[sflag:s0] =	ssyncadd.s32 @!p0 s1  }
0x18d: {  	[bflag:$0x3] =	sbarrier.arrive $0xFFFF  }
0x18e: {  	_ =	shalt  }

</sc_bundles>
